<compile_context>
chip_gen: v7x
topology: tpu7x:2x2x1
jax: 0.10.2.dev20260603
libtpu: 0.0.44.dev20260713+nightly
codegen_flags: <defaults>
</compile_context>

<pallas_src>
import functools

import jax
import jax.numpy as jnp
from jax import lax
from jax.experimental import pallas as pl
from jax.experimental.pallas import tpu as pltpu
from jax.experimental.pallas import tpu_sc as plsc

E = 8
H = 1024
NC = 2
NS = 16
NW = NC * NS
L = 16


def _logits_tc(hs2d, weight, blk, start=0, count=None):
    n = hs2d.shape[0]
    if count is None:
        count = n
    sb = start // blk

    def body(w_ref, hs_ref, out_ref):
        out_ref[...] = lax.dot_general(
            w_ref[...], hs_ref[...],
            (((1,), (1,)), ((), ())),
            preferred_element_type=jnp.float32,
        )

    return pl.pallas_call(
        body,
        grid=(count // blk,),
        in_specs=[
            pl.BlockSpec((E, H), lambda i: (0, 0)),
            pl.BlockSpec((blk, H), lambda i: (sb + i, 0)),
        ],
        out_specs=pl.BlockSpec((E, blk), lambda i: (0, i)),
        out_shape=jax.ShapeDtypeStruct((E, count), jnp.float32),
    )(weight, hs2d)


def _route_sc(logits, n_tokens, chunk):
    mesh = plsc.VectorSubcoreMesh(core_axis_name="c", subcore_axis_name="s")

    @functools.partial(
        pl.kernel,
        mesh=mesh,
        out_type=[
            jax.ShapeDtypeStruct((2, n_tokens), jnp.int32),
            jax.ShapeDtypeStruct((2, n_tokens), jnp.float32),
        ],
        scratch_types=[
            pltpu.VMEM((E, chunk), jnp.float32),
            pltpu.VMEM((chunk,), jnp.int32),
            pltpu.VMEM((chunk,), jnp.int32),
            pltpu.VMEM((chunk,), jnp.float32),
            pltpu.VMEM((chunk,), jnp.float32),
        ],
    )
    def k(lg_hbm, idx_hbm, wgt_hbm, lg_v, a1_v, a2_v, w1_v, w2_v):
        wid = lax.axis_index("s") * NC + lax.axis_index("c")
        pltpu.sync_copy(lg_hbm.at[:, pl.ds(wid * chunk, chunk)], lg_v)

        def body(i, carry):
            for u in range(2):
                sl = pl.ds((2 * i + u) * L, L)
                ls = [lg_v[e, sl] for e in range(E)]
                m1 = ls[0]
                a1 = jnp.zeros((L,), jnp.int32)
                for e in range(1, E):
                    gt = ls[e] > m1
                    m1 = jnp.where(gt, ls[e], m1)
                    a1 = jnp.where(gt, e, a1)
                m2 = jnp.full((L,), -jnp.inf, jnp.float32)
                a2 = jnp.zeros((L,), jnp.int32)
                for e in range(E):
                    gt = jnp.logical_and(a1 != e, ls[e] > m2)
                    m2 = jnp.where(gt, ls[e], m2)
                    a2 = jnp.where(gt, e, a2)
                r = jnp.exp(m2 - m1)
                w1 = 1.0 / (1.0 + r)
                a1_v[sl] = a1
                a2_v[sl] = a2
                w1_v[sl] = w1
                w2_v[sl] = 1.0 - w1
            return carry

        lax.fori_loop(0, chunk // (2 * L), body, 0)
        base = wid * chunk
        pltpu.sync_copy(a1_v, idx_hbm.at[0, pl.ds(base, chunk)])
        pltpu.sync_copy(a2_v, idx_hbm.at[1, pl.ds(base, chunk)])
        pltpu.sync_copy(w1_v, wgt_hbm.at[0, pl.ds(base, chunk)])
        pltpu.sync_copy(w2_v, wgt_hbm.at[1, pl.ds(base, chunk)])

    return k(logits)


TC_BLK = 2048


def kernel(hidden_states, weight):
    bsz, seq_len, h = hidden_states.shape
    n = bsz * seq_len
    hs2d = hidden_states.reshape(n, h)
    chunk = n // NW
    logits = _logits_tc(hs2d, weight, TC_BLK)
    idx2n, wgt2n = _route_sc(logits, n, chunk)
    return idx2n.T, wgt2n.T

# --- scband reference (transcript-rebuilt; emitter-appended) ---
"""Pipeline reference for scband-mo-egate-60524679135661 (READ-ONLY COPY).

The authoritative reference and input builder live on the scoring server;
editing this copy changes nothing except your own understanding.
"""

import jax, jax.numpy as jnp
import numpy as np

N_EXPERTS = 8
TOP_K = 2
HIDDEN = 1024

def setup_inputs(seed: int = 0) -> dict:
    key = jax.random.key(seed)
    k1, k2 = jax.random.split(key)
    hidden_states = jax.random.normal(k1, (4, 8192, HIDDEN), dtype=jnp.float32)
    # kaiming_uniform_(a=sqrt(5)) on [E, d]: bound = sqrt(6 / ((1 + a^2) * fan_in)) = sqrt(1/fan_in)
    bound = float(np.sqrt(1.0 / HIDDEN))
    weight = jax.random.uniform(k2, (N_EXPERTS, HIDDEN), dtype=jnp.float32, minval=-bound, maxval=bound)
    return {"hidden_states": hidden_states, "weight": weight}

def reference(hidden_states, weight):
    bsz, seq_len, h = hidden_states.shape
    hs = hidden_states.reshape(-1, h).astype(jnp.float32)
    logits = hs @ weight.astype(jnp.float32).T  # [N, E]
    scores = jax.nn.softmax(logits, axis=-1)
    # topk_method == 'gready'
    topk_weight, topk_idx = jax.lax.top_k(scores, TOP_K)
    # top_k > 1 and norm_topk_prob
    denominator = jnp.sum(topk_weight, axis=-1, keepdims=True) + 1e-20
    topk_weight = topk_weight / denominator
    # alpha == alpha2 == alpha3 == 0.0 -> total_aux_loss is None; return routing outputs
    return (topk_idx, topk_weight)

if __name__ == "__main__":
    import jax
    _d = setup_inputs()
    print(jax.jit(kernel)(*tuple(_d.values())))

</pallas_src>

<mosaic_0001>
#map = affine_map<(d0, d1) -> (0, 0)>
module attributes {stable_mosaic.version = 14 : i64} {
  func.func @k(%arg0: i32, %arg1: i32, %arg2: memref<8x32768xf32, #tpu.memory_space<hbm>>, %arg3: memref<2x32768xi32, #tpu.memory_space<hbm>>, %arg4: memref<2x32768xf32, #tpu.memory_space<hbm>>, %arg5: memref<8x1024xf32, #tpu.memory_space<vmem>>, %arg6: memref<1024xi32, #tpu.memory_space<vmem>>, %arg7: memref<1024xi32, #tpu.memory_space<vmem>>, %arg8: memref<1024xf32, #tpu.memory_space<vmem>>, %arg9: memref<1024xf32, #tpu.memory_space<vmem>>) attributes {dimension_semantics = [#tpu.dimension_semantics<core_parallel>, #tpu.dimension_semantics<subcore_parallel>], iteration_bounds = array<i64: 2, 16>, scalar_prefetch = 0 : i64, scratch_operands = 5 : i64, tpu.core_type = #tpu.core_type<sc_vector_subcore>, window_params = [{transform_indices = #map}, {transform_indices = #map}, {transform_indices = #map}]} {
    %mul3A = arith.constant 2 : i32
    %mul3A_0 = arith.muli %arg1, %mul3A : i32
    %add3A = arith.addi %mul3A_0, %arg0 : i32
    %mul3A_1 = arith.constant 1024 : i32
    %mul3A_2 = arith.muli %add3A, %mul3A_1 : i32
    "tpu.region"() ({
      %run_scoped3A_13 = tpu.sem_alloc : memref<!tpu.dma_semaphore, #tpu.memory_space<semaphore_mem>>
      %dma_start3A = arith.constant 0 : i32
      %dma_start3A_14 = tpu.memref_slice %arg2[%dma_start3A, %mul3A_2] : memref<8x32768xf32, #tpu.memory_space<hbm>> -> memref<8x1024xf32, #tpu.memory_space<hbm>>
      %dma_start3A_15 = arith.constant 0 : i32
      %dma_start3A_16 = tpu.memref_slice %arg2[%dma_start3A_15, %mul3A_2] : memref<8x32768xf32, #tpu.memory_space<hbm>> -> memref<8x1024xf32, #tpu.memory_space<hbm>>
      tpu.enqueue_dma source(%dma_start3A_16 : memref<8x1024xf32, #tpu.memory_space<hbm>>) target(%arg5 : memref<8x1024xf32, #tpu.memory_space<vmem>>) target_semaphore(%run_scoped3A_13 : memref<!tpu.dma_semaphore, #tpu.memory_space<semaphore_mem>>)
      %dma_wait3A = arith.constant 0 : i32
      %dma_wait3A_17 = tpu.memref_slice %arg2[%dma_wait3A, %mul3A_2] : memref<8x32768xf32, #tpu.memory_space<hbm>> -> memref<8x1024xf32, #tpu.memory_space<hbm>>
      %dma_wait3A_18 = arith.constant 0 : i32
      %dma_wait3A_19 = tpu.memref_slice %arg2[%dma_wait3A_18, %mul3A_2] : memref<8x32768xf32, #tpu.memory_space<hbm>> -> memref<8x1024xf32, #tpu.memory_space<hbm>>
      tpu.wait_dma2 semaphore(%run_scoped3A_13 : memref<!tpu.dma_semaphore, #tpu.memory_space<semaphore_mem>>) src(%dma_wait3A_19 : memref<8x1024xf32, #tpu.memory_space<hbm>>) dst(%arg5 : memref<8x1024xf32, #tpu.memory_space<vmem>>)
      tpu.yield
    }) : () -> ()
    %scan3A = arith.constant 0 : i32
    %scan3A_3 = arith.constant 0 : i32
    %scan3A_4 = arith.constant 32 : i32
    %scan3A_5 = arith.addi %scan3A_3, %scan3A_4 : i32
    %scan3A_6 = arith.constant 1 : i32
    scf.for %scan3A_13 = %scan3A_3 to %scan3A_5 step %scan3A_6  : i32 {
      %mul3A_14 = arith.constant 2 : i32
      %mul3A_15 = arith.muli %mul3A_14, %scan3A_13 : i32
      %add3A_16 = arith.constant 0 : i32
      %add3A_17 = arith.addi %mul3A_15, %add3A_16 : i32
      %mul3A_18 = arith.constant 16 : i32
      %mul3A_19 = arith.muli %add3A_17, %mul3A_18 : i32
      %get3A = arith.constant 0 : i32
      %get3A_20 = arith.index_cast %get3A : i32 to index
      %get3A_21 = arith.index_cast %mul3A_19 : i32 to index
      %get3A_22 = tpu.vector_load %arg5[%get3A_20, %get3A_21] {strides = array<i32>} : memref<8x1024xf32, #tpu.memory_space<vmem>>, vector<1x16xf32>,
      %get3A_23 = vector.shape_cast %get3A_22 : vector<1x16xf32> to vector<16xf32>
      %get3A_24 = arith.constant 1 : i32
      %get3A_25 = arith.index_cast %get3A_24 : i32 to index
      %get3A_26 = arith.index_cast %mul3A_19 : i32 to index
      %get3A_27 = tpu.vector_load %arg5[%get3A_25, %get3A_26] {strides = array<i32>} : memref<8x1024xf32, #tpu.memory_space<vmem>>, vector<1x16xf32>,
      %get3A_28 = vector.shape_cast %get3A_27 : vector<1x16xf32> to vector<16xf32>
      %get3A_29 = arith.constant 2 : i32
      %get3A_30 = arith.index_cast %get3A_29 : i32 to index
      %get3A_31 = arith.index_cast %mul3A_19 : i32 to index
      %get3A_32 = tpu.vector_load %arg5[%get3A_30, %get3A_31] {strides = array<i32>} : memref<8x1024xf32, #tpu.memory_space<vmem>>, vector<1x16xf32>,
      %get3A_33 = vector.shape_cast %get3A_32 : vector<1x16xf32> to vector<16xf32>
      %get3A_34 = arith.constant 3 : i32
      %get3A_35 = arith.index_cast %get3A_34 : i32 to index
      %get3A_36 = arith.index_cast %mul3A_19 : i32 to index
      %get3A_37 = tpu.vector_load %arg5[%get3A_35, %get3A_36] {strides = array<i32>} : memref<8x1024xf32, #tpu.memory_space<vmem>>, vector<1x16xf32>,
      %get3A_38 = vector.shape_cast %get3A_37 : vector<1x16xf32> to vector<16xf32>
      %get3A_39 = arith.constant 4 : i32
      %get3A_40 = arith.index_cast %get3A_39 : i32 to index
      %get3A_41 = arith.index_cast %mul3A_19 : i32 to index
      %get3A_42 = tpu.vector_load %arg5[%get3A_40, %get3A_41] {strides = array<i32>} : memref<8x1024xf32, #tpu.memory_space<vmem>>, vector<1x16xf32>,
      %get3A_43 = vector.shape_cast %get3A_42 : vector<1x16xf32> to vector<16xf32>
      %get3A_44 = arith.constant 5 : i32
      %get3A_45 = arith.index_cast %get3A_44 : i32 to index
      %get3A_46 = arith.index_cast %mul3A_19 : i32 to index
      %get3A_47 = tpu.vector_load %arg5[%get3A_45, %get3A_46] {strides = array<i32>} : memref<8x1024xf32, #tpu.memory_space<vmem>>, vector<1x16xf32>,
      %get3A_48 = vector.shape_cast %get3A_47 : vector<1x16xf32> to vector<16xf32>
      %get3A_49 = arith.constant 6 : i32
      %get3A_50 = arith.index_cast %get3A_49 : i32 to index
      %get3A_51 = arith.index_cast %mul3A_19 : i32 to index
      %get3A_52 = tpu.vector_load %arg5[%get3A_50, %get3A_51] {strides = array<i32>} : memref<8x1024xf32, #tpu.memory_space<vmem>>, vector<1x16xf32>,
      %get3A_53 = vector.shape_cast %get3A_52 : vector<1x16xf32> to vector<16xf32>
      %get3A_54 = arith.constant 7 : i32
      %get3A_55 = arith.index_cast %get3A_54 : i32 to index
      %get3A_56 = arith.index_cast %mul3A_19 : i32 to index
      %get3A_57 = tpu.vector_load %arg5[%get3A_55, %get3A_56] {strides = array<i32>} : memref<8x1024xf32, #tpu.memory_space<vmem>>, vector<1x16xf32>,
      %get3A_58 = vector.shape_cast %get3A_57 : vector<1x16xf32> to vector<16xf32>
      %broadcast_in_dim3A = arith.constant 0 : i32
      %broadcast_in_dim3A_59 = vector.broadcast %broadcast_in_dim3A : i32 to vector<16xi32>
      %gt3A = arith.cmpf ogt, %get3A_28, %get3A_23 : vector<16xf32>
      %select_n3A = arith.select %gt3A, %get3A_28, %get3A_23 : vector<16xi1>, vector<16xf32>
      %jit3A = arith.constant 1 : i32
      %broadcast_in_dim3A_60 = vector.broadcast %jit3A : i32 to vector<16xi32>
      %select_n3A_61 = arith.select %gt3A, %broadcast_in_dim3A_60, %broadcast_in_dim3A_59 : vector<16xi1>, vector<16xi32>
      %gt3A_62 = arith.cmpf ogt, %get3A_33, %select_n3A : vector<16xf32>
      %select_n3A_63 = arith.select %gt3A_62, %get3A_33, %select_n3A : vector<16xi1>, vector<16xf32>
      %jit3A_64 = arith.constant 2 : i32
      %broadcast_in_dim3A_65 = vector.broadcast %jit3A_64 : i32 to vector<16xi32>
      %select_n3A_66 = arith.select %gt3A_62, %broadcast_in_dim3A_65, %select_n3A_61 : vector<16xi1>, vector<16xi32>
      %gt3A_67 = arith.cmpf ogt, %get3A_38, %select_n3A_63 : vector<16xf32>
      %select_n3A_68 = arith.select %gt3A_67, %get3A_38, %select_n3A_63 : vector<16xi1>, vector<16xf32>
      %jit3A_69 = arith.constant 3 : i32
      %broadcast_in_dim3A_70 = vector.broadcast %jit3A_69 : i32 to vector<16xi32>
      %select_n3A_71 = arith.select %gt3A_67, %broadcast_in_dim3A_70, %select_n3A_66 : vector<16xi1>, vector<16xi32>
      %gt3A_72 = arith.cmpf ogt, %get3A_43, %select_n3A_68 : vector<16xf32>
      %select_n3A_73 = arith.select %gt3A_72, %get3A_43, %select_n3A_68 : vector<16xi1>, vector<16xf32>
      %jit3A_74 = arith.constant 4 : i32
      %broadcast_in_dim3A_75 = vector.broadcast %jit3A_74 : i32 to vector<16xi32>
      %select_n3A_76 = arith.select %gt3A_72, %broadcast_in_dim3A_75, %select_n3A_71 : vector<16xi1>, vector<16xi32>
      %gt3A_77 = arith.cmpf ogt, %get3A_48, %select_n3A_73 : vector<16xf32>
      %select_n3A_78 = arith.select %gt3A_77, %get3A_48, %select_n3A_73 : vector<16xi1>, vector<16xf32>
      %jit3A_79 = arith.constant 5 : i32
      %broadcast_in_dim3A_80 = vector.broadcast %jit3A_79 : i32 to vector<16xi32>
      %select_n3A_81 = arith.select %gt3A_77, %broadcast_in_dim3A_80, %select_n3A_76 : vector<16xi1>, vector<16xi32>
      %gt3A_82 = arith.cmpf ogt, %get3A_53, %select_n3A_78 : vector<16xf32>
      %select_n3A_83 = arith.select %gt3A_82, %get3A_53, %select_n3A_78 : vector<16xi1>, vector<16xf32>
      %jit3A_84 = arith.constant 6 : i32
      %broadcast_in_dim3A_85 = vector.broadcast %jit3A_84 : i32 to vector<16xi32>
      %select_n3A_86 = arith.select %gt3A_82, %broadcast_in_dim3A_85, %select_n3A_81 : vector<16xi1>, vector<16xi32>
      %gt3A_87 = arith.cmpf ogt, %get3A_58, %select_n3A_83 : vector<16xf32>
      %select_n3A_88 = arith.select %gt3A_87, %get3A_58, %select_n3A_83 : vector<16xi1>, vector<16xf32>
      %jit3A_89 = arith.constant 7 : i32
      %broadcast_in_dim3A_90 = vector.broadcast %jit3A_89 : i32 to vector<16xi32>
      %select_n3A_91 = arith.select %gt3A_87, %broadcast_in_dim3A_90, %select_n3A_86 : vector<16xi1>, vector<16xi32>
      %broadcast_in_dim3A_92 = arith.constant 0xFF800000 : f32
      %broadcast_in_dim3A_93 = vector.broadcast %broadcast_in_dim3A_92 : f32 to vector<16xf32>
      %broadcast_in_dim3A_94 = arith.constant 0 : i32
      %broadcast_in_dim3A_95 = vector.broadcast %broadcast_in_dim3A_94 : i32 to vector<16xi32>
      %ne3A = arith.constant 0 : i32
      %ne3A_96 = vector.broadcast %ne3A : i32 to vector<16xi32>
      %ne3A_97 = arith.cmpi ne, %select_n3A_91, %ne3A_96 : vector<16xi32>
      %gt3A_98 = arith.cmpf ogt, %get3A_23, %broadcast_in_dim3A_93 : vector<16xf32>
      %and3A = arith.andi %ne3A_97, %gt3A_98 : vector<16xi1>
      %select_n3A_99 = arith.select %and3A, %get3A_23, %broadcast_in_dim3A_93 : vector<16xi1>, vector<16xf32>
      %jit3A_100 = arith.constant 0 : i32
      %broadcast_in_dim3A_101 = vector.broadcast %jit3A_100 : i32 to vector<16xi32>
      %select_n3A_102 = arith.select %and3A, %broadcast_in_dim3A_101, %broadcast_in_dim3A_95 : vector<16xi1>, vector<16xi32>
      %ne3A_103 = arith.constant 1 : i32
      %ne3A_104 = vector.broadcast %ne3A_103 : i32 to vector<16xi32>
      %ne3A_105 = arith.cmpi ne, %select_n3A_91, %ne3A_104 : vector<16xi32>
      %gt3A_106 = arith.cmpf ogt, %get3A_28, %select_n3A_99 : vector<16xf32>
      %and3A_107 = arith.andi %ne3A_105, %gt3A_106 : vector<16xi1>
      %select_n3A_108 = arith.select %and3A_107, %get3A_28, %select_n3A_99 : vector<16xi1>, vector<16xf32>
      %jit3A_109 = arith.constant 1 : i32
      %broadcast_in_dim3A_110 = vector.broadcast %jit3A_109 : i32 to vector<16xi32>
      %select_n3A_111 = arith.select %and3A_107, %broadcast_in_dim3A_110, %select_n3A_102 : vector<16xi1>, vector<16xi32>
      %ne3A_112 = arith.constant 2 : i32
      %ne3A_113 = vector.broadcast %ne3A_112 : i32 to vector<16xi32>
      %ne3A_114 = arith.cmpi ne, %select_n3A_91, %ne3A_113 : vector<16xi32>
      %gt3A_115 = arith.cmpf ogt, %get3A_33, %select_n3A_108 : vector<16xf32>
      %and3A_116 = arith.andi %ne3A_114, %gt3A_115 : vector<16xi1>
      %select_n3A_117 = arith.select %and3A_116, %get3A_33, %select_n3A_108 : vector<16xi1>, vector<16xf32>
      %jit3A_118 = arith.constant 2 : i32
      %broadcast_in_dim3A_119 = vector.broadcast %jit3A_118 : i32 to vector<16xi32>
      %select_n3A_120 = arith.select %and3A_116, %broadcast_in_dim3A_119, %select_n3A_111 : vector<16xi1>, vector<16xi32>
      %ne3A_121 = arith.constant 3 : i32
      %ne3A_122 = vector.broadcast %ne3A_121 : i32 to vector<16xi32>
      %ne3A_123 = arith.cmpi ne, %select_n3A_91, %ne3A_122 : vector<16xi32>
      %gt3A_124 = arith.cmpf ogt, %get3A_38, %select_n3A_117 : vector<16xf32>
      %and3A_125 = arith.andi %ne3A_123, %gt3A_124 : vector<16xi1>
      %select_n3A_126 = arith.select %and3A_125, %get3A_38, %select_n3A_117 : vector<16xi1>, vector<16xf32>
      %jit3A_127 = arith.constant 3 : i32
      %broadcast_in_dim3A_128 = vector.broadcast %jit3A_127 : i32 to vector<16xi32>
      %select_n3A_129 = arith.select %and3A_125, %broadcast_in_dim3A_128, %select_n3A_120 : vector<16xi1>, vector<16xi32>
      %ne3A_130 = arith.constant 4 : i32
      %ne3A_131 = vector.broadcast %ne3A_130 : i32 to vector<16xi32>
      %ne3A_132 = arith.cmpi ne, %select_n3A_91, %ne3A_131 : vector<16xi32>
      %gt3A_133 = arith.cmpf ogt, %get3A_43, %select_n3A_126 : vector<16xf32>
      %and3A_134 = arith.andi %ne3A_132, %gt3A_133 : vector<16xi1>
      %select_n3A_135 = arith.select %and3A_134, %get3A_43, %select_n3A_126 : vector<16xi1>, vector<16xf32>
      %jit3A_136 = arith.constant 4 : i32
      %broadcast_in_dim3A_137 = vector.broadcast %jit3A_136 : i32 to vector<16xi32>
      %select_n3A_138 = arith.select %and3A_134, %broadcast_in_dim3A_137, %select_n3A_129 : vector<16xi1>, vector<16xi32>
      %ne3A_139 = arith.constant 5 : i32
      %ne3A_140 = vector.broadcast %ne3A_139 : i32 to vector<16xi32>
      %ne3A_141 = arith.cmpi ne, %select_n3A_91, %ne3A_140 : vector<16xi32>
      %gt3A_142 = arith.cmpf ogt, %get3A_48, %select_n3A_135 : vector<16xf32>
      %and3A_143 = arith.andi %ne3A_141, %gt3A_142 : vector<16xi1>
      %select_n3A_144 = arith.select %and3A_143, %get3A_48, %select_n3A_135 : vector<16xi1>, vector<16xf32>
      %jit3A_145 = arith.constant 5 : i32
      %broadcast_in_dim3A_146 = vector.broadcast %jit3A_145 : i32 to vector<16xi32>
      %select_n3A_147 = arith.select %and3A_143, %broadcast_in_dim3A_146, %select_n3A_138 : vector<16xi1>, vector<16xi32>
      %ne3A_148 = arith.constant 6 : i32
      %ne3A_149 = vector.broadcast %ne3A_148 : i32 to vector<16xi32>
      %ne3A_150 = arith.cmpi ne, %select_n3A_91, %ne3A_149 : vector<16xi32>
      %gt3A_151 = arith.cmpf ogt, %get3A_53, %select_n3A_144 : vector<16xf32>
      %and3A_152 = arith.andi %ne3A_150, %gt3A_151 : vector<16xi1>
      %select_n3A_153 = arith.select %and3A_152, %get3A_53, %select_n3A_144 : vector<16xi1>, vector<16xf32>
      %jit3A_154 = arith.constant 6 : i32
      %broadcast_in_dim3A_155 = vector.broadcast %jit3A_154 : i32 to vector<16xi32>
      %select_n3A_156 = arith.select %and3A_152, %broadcast_in_dim3A_155, %select_n3A_147 : vector<16xi1>, vector<16xi32>
      %ne3A_157 = arith.constant 7 : i32
      %ne3A_158 = vector.broadcast %ne3A_157 : i32 to vector<16xi32>
      %ne3A_159 = arith.cmpi ne, %select_n3A_91, %ne3A_158 : vector<16xi32>
      %gt3A_160 = arith.cmpf ogt, %get3A_58, %select_n3A_153 : vector<16xf32>
      %and3A_161 = arith.andi %ne3A_159, %gt3A_160 : vector<16xi1>
      %select_n3A_162 = arith.select %and3A_161, %get3A_58, %select_n3A_153 : vector<16xi1>, vector<16xf32>
      %jit3A_163 = arith.constant 7 : i32
      %broadcast_in_dim3A_164 = vector.broadcast %jit3A_163 : i32 to vector<16xi32>
      %select_n3A_165 = arith.select %and3A_161, %broadcast_in_dim3A_164, %select_n3A_156 : vector<16xi1>, vector<16xi32>
      %sub3A = arith.subf %select_n3A_162, %select_n3A_88 : vector<16xf32>
      %exp3A = math.exp %sub3A : vector<16xf32>
      %add3A_166 = arith.constant 1.000000e+00 : f32
      %add3A_167 = vector.broadcast %add3A_166 : f32 to vector<16xf32>
      %add3A_168 = arith.addf %add3A_167, %exp3A : vector<16xf32>
      %div3A = arith.constant 1.000000e+00 : f32
      %div3A_169 = vector.broadcast %div3A : f32 to vector<16xf32>
      %div3A_170 = arith.divf %div3A_169, %add3A_168 : vector<16xf32>
      %swap3A = arith.index_cast %mul3A_19 : i32 to index
      %swap3A_171 = tpu.vector_load %arg6[%swap3A] {strides = array<i32>} : memref<1024xi32, #tpu.memory_space<vmem>>, vector<16xi32>,
      %swap3A_172 = vector.shape_cast %swap3A_171 : vector<16xi32> to vector<16xi32>
      %swap3A_173 = vector.shape_cast %select_n3A_91 : vector<16xi32> to vector<16xi32>
      tpu.vector_store %arg6[%swap3A], %swap3A_173 {strides = array<i32>} : memref<1024xi32, #tpu.memory_space<vmem>>, vector<16xi32>,
      %swap3A_174 = arith.index_cast %mul3A_19 : i32 to index
      %swap3A_175 = tpu.vector_load %arg7[%swap3A_174] {strides = array<i32>} : memref<1024xi32, #tpu.memory_space<vmem>>, vector<16xi32>,
      %swap3A_176 = vector.shape_cast %swap3A_175 : vector<16xi32> to vector<16xi32>
      %swap3A_177 = vector.shape_cast %select_n3A_165 : vector<16xi32> to vector<16xi32>
      tpu.vector_store %arg7[%swap3A_174], %swap3A_177 {strides = array<i32>} : memref<1024xi32, #tpu.memory_space<vmem>>, vector<16xi32>,
      %swap3A_178 = arith.index_cast %mul3A_19 : i32 to index
      %swap3A_179 = tpu.vector_load %arg8[%swap3A_178] {strides = array<i32>} : memref<1024xf32, #tpu.memory_space<vmem>>, vector<16xf32>,
      %swap3A_180 = vector.shape_cast %swap3A_179 : vector<16xf32> to vector<16xf32>
      %swap3A_181 = vector.shape_cast %div3A_170 : vector<16xf32> to vector<16xf32>
      tpu.vector_store %arg8[%swap3A_178], %swap3A_181 {strides = array<i32>} : memref<1024xf32, #tpu.memory_space<vmem>>, vector<16xf32>,
      %sub3A_182 = arith.constant 1.000000e+00 : f32
      %sub3A_183 = vector.broadcast %sub3A_182 : f32 to vector<16xf32>
      %sub3A_184 = arith.subf %sub3A_183, %div3A_170 : vector<16xf32>
      %swap3A_185 = arith.index_cast %mul3A_19 : i32 to index
      %swap3A_186 = tpu.vector_load %arg9[%swap3A_185] {strides = array<i32>} : memref<1024xf32, #tpu.memory_space<vmem>>, vector<16xf32>,
      %swap3A_187 = vector.shape_cast %swap3A_186 : vector<16xf32> to vector<16xf32>
      %swap3A_188 = vector.shape_cast %sub3A_184 : vector<16xf32> to vector<16xf32>
      tpu.vector_store %arg9[%swap3A_185], %swap3A_188 {strides = array<i32>} : memref<1024xf32, #tpu.memory_space<vmem>>, vector<16xf32>,
      %mul3A_189 = arith.constant 2 : i32
      %mul3A_190 = arith.muli %mul3A_189, %scan3A_13 : i32
      %add3A_191 = arith.constant 1 : i32
      %add3A_192 = arith.addi %mul3A_190, %add3A_191 : i32
      %mul3A_193 = arith.constant 16 : i32
      %mul3A_194 = arith.muli %add3A_192, %mul3A_193 : i32
      %get3A_195 = arith.constant 0 : i32
      %get3A_196 = arith.index_cast %get3A_195 : i32 to index
      %get3A_197 = arith.index_cast %mul3A_194 : i32 to index
      %get3A_198 = tpu.vector_load %arg5[%get3A_196, %get3A_197] {strides = array<i32>} : memref<8x1024xf32, #tpu.memory_space<vmem>>, vector<1x16xf32>,
      %get3A_199 = vector.shape_cast %get3A_198 : vector<1x16xf32> to vector<16xf32>
      %get3A_200 = arith.constant 1 : i32
      %get3A_201 = arith.index_cast %get3A_200 : i32 to index
      %get3A_202 = arith.index_cast %mul3A_194 : i32 to index
      %get3A_203 = tpu.vector_load %arg5[%get3A_201, %get3A_202] {strides = array<i32>} : memref<8x1024xf32, #tpu.memory_space<vmem>>, vector<1x16xf32>,
      %get3A_204 = vector.shape_cast %get3A_203 : vector<1x16xf32> to vector<16xf32>
      %get3A_205 = arith.constant 2 : i32
      %get3A_206 = arith.index_cast %get3A_205 : i32 to index
      %get3A_207 = arith.index_cast %mul3A_194 : i32 to index
      %get3A_208 = tpu.vector_load %arg5[%get3A_206, %get3A_207] {strides = array<i32>} : memref<8x1024xf32, #tpu.memory_space<vmem>>, vector<1x16xf32>,
      %get3A_209 = vector.shape_cast %get3A_208 : vector<1x16xf32> to vector<16xf32>
      %get3A_210 = arith.constant 3 : i32
      %get3A_211 = arith.index_cast %get3A_210 : i32 to index
      %get3A_212 = arith.index_cast %mul3A_194 : i32 to index
      %get3A_213 = tpu.vector_load %arg5[%get3A_211, %get3A_212] {strides = array<i32>} : memref<8x1024xf32, #tpu.memory_space<vmem>>, vector<1x16xf32>,
      %get3A_214 = vector.shape_cast %get3A_213 : vector<1x16xf32> to vector<16xf32>
      %get3A_215 = arith.constant 4 : i32
      %get3A_216 = arith.index_cast %get3A_215 : i32 to index
      %get3A_217 = arith.index_cast %mul3A_194 : i32 to index
      %get3A_218 = tpu.vector_load %arg5[%get3A_216, %get3A_217] {strides = array<i32>} : memref<8x1024xf32, #tpu.memory_space<vmem>>, vector<1x16xf32>,
      %get3A_219 = vector.shape_cast %get3A_218 : vector<1x16xf32> to vector<16xf32>
      %get3A_220 = arith.constant 5 : i32
      %get3A_221 = arith.index_cast %get3A_220 : i32 to index
      %get3A_222 = arith.index_cast %mul3A_194 : i32 to index
      %get3A_223 = tpu.vector_load %arg5[%get3A_221, %get3A_222] {strides = array<i32>} : memref<8x1024xf32, #tpu.memory_space<vmem>>, vector<1x16xf32>,
      %get3A_224 = vector.shape_cast %get3A_223 : vector<1x16xf32> to vector<16xf32>
      %get3A_225 = arith.constant 6 : i32
      %get3A_226 = arith.index_cast %get3A_225 : i32 to index
      %get3A_227 = arith.index_cast %mul3A_194 : i32 to index
      %get3A_228 = tpu.vector_load %arg5[%get3A_226, %get3A_227] {strides = array<i32>} : memref<8x1024xf32, #tpu.memory_space<vmem>>, vector<1x16xf32>,
      %get3A_229 = vector.shape_cast %get3A_228 : vector<1x16xf32> to vector<16xf32>
      %get3A_230 = arith.constant 7 : i32
      %get3A_231 = arith.index_cast %get3A_230 : i32 to index
      %get3A_232 = arith.index_cast %mul3A_194 : i32 to index
      %get3A_233 = tpu.vector_load %arg5[%get3A_231, %get3A_232] {strides = array<i32>} : memref<8x1024xf32, #tpu.memory_space<vmem>>, vector<1x16xf32>,
      %get3A_234 = vector.shape_cast %get3A_233 : vector<1x16xf32> to vector<16xf32>
      %broadcast_in_dim3A_235 = arith.constant 0 : i32
      %broadcast_in_dim3A_236 = vector.broadcast %broadcast_in_dim3A_235 : i32 to vector<16xi32>
      %gt3A_237 = arith.cmpf ogt, %get3A_204, %get3A_199 : vector<16xf32>
      %select_n3A_238 = arith.select %gt3A_237, %get3A_204, %get3A_199 : vector<16xi1>, vector<16xf32>
      %jit3A_239 = arith.constant 1 : i32
      %broadcast_in_dim3A_240 = vector.broadcast %jit3A_239 : i32 to vector<16xi32>
      %select_n3A_241 = arith.select %gt3A_237, %broadcast_in_dim3A_240, %broadcast_in_dim3A_236 : vector<16xi1>, vector<16xi32>
      %gt3A_242 = arith.cmpf ogt, %get3A_209, %select_n3A_238 : vector<16xf32>
      %select_n3A_243 = arith.select %gt3A_242, %get3A_209, %select_n3A_238 : vector<16xi1>, vector<16xf32>
      %jit3A_244 = arith.constant 2 : i32
      %broadcast_in_dim3A_245 = vector.broadcast %jit3A_244 : i32 to vector<16xi32>
      %select_n3A_246 = arith.select %gt3A_242, %broadcast_in_dim3A_245, %select_n3A_241 : vector<16xi1>, vector<16xi32>
      %gt3A_247 = arith.cmpf ogt, %get3A_214, %select_n3A_243 : vector<16xf32>
      %select_n3A_248 = arith.select %gt3A_247, %get3A_214, %select_n3A_243 : vector<16xi1>, vector<16xf32>
      %jit3A_249 = arith.constant 3 : i32
      %broadcast_in_dim3A_250 = vector.broadcast %jit3A_249 : i32 to vector<16xi32>
      %select_n3A_251 = arith.select %gt3A_247, %broadcast_in_dim3A_250, %select_n3A_246 : vector<16xi1>, vector<16xi32>
      %gt3A_252 = arith.cmpf ogt, %get3A_219, %select_n3A_248 : vector<16xf32>
      %select_n3A_253 = arith.select %gt3A_252, %get3A_219, %select_n3A_248 : vector<16xi1>, vector<16xf32>
      %jit3A_254 = arith.constant 4 : i32
      %broadcast_in_dim3A_255 = vector.broadcast %jit3A_254 : i32 to vector<16xi32>
      %select_n3A_256 = arith.select %gt3A_252, %broadcast_in_dim3A_255, %select_n3A_251 : vector<16xi1>, vector<16xi32>
      %gt3A_257 = arith.cmpf ogt, %get3A_224, %select_n3A_253 : vector<16xf32>
      %select_n3A_258 = arith.select %gt3A_257, %get3A_224, %select_n3A_253 : vector<16xi1>, vector<16xf32>
      %jit3A_259 = arith.constant 5 : i32
      %broadcast_in_dim3A_260 = vector.broadcast %jit3A_259 : i32 to vector<16xi32>
      %select_n3A_261 = arith.select %gt3A_257, %broadcast_in_dim3A_260, %select_n3A_256 : vector<16xi1>, vector<16xi32>
      %gt3A_262 = arith.cmpf ogt, %get3A_229, %select_n3A_258 : vector<16xf32>
      %select_n3A_263 = arith.select %gt3A_262, %get3A_229, %select_n3A_258 : vector<16xi1>, vector<16xf32>
      %jit3A_264 = arith.constant 6 : i32
      %broadcast_in_dim3A_265 = vector.broadcast %jit3A_264 : i32 to vector<16xi32>
      %select_n3A_266 = arith.select %gt3A_262, %broadcast_in_dim3A_265, %select_n3A_261 : vector<16xi1>, vector<16xi32>
      %gt3A_267 = arith.cmpf ogt, %get3A_234, %select_n3A_263 : vector<16xf32>
      %select_n3A_268 = arith.select %gt3A_267, %get3A_234, %select_n3A_263 : vector<16xi1>, vector<16xf32>
      %jit3A_269 = arith.constant 7 : i32
      %broadcast_in_dim3A_270 = vector.broadcast %jit3A_269 : i32 to vector<16xi32>
      %select_n3A_271 = arith.select %gt3A_267, %broadcast_in_dim3A_270, %select_n3A_266 : vector<16xi1>, vector<16xi32>
      %broadcast_in_dim3A_272 = arith.constant 0xFF800000 : f32
      %broadcast_in_dim3A_273 = vector.broadcast %broadcast_in_dim3A_272 : f32 to vector<16xf32>
      %broadcast_in_dim3A_274 = arith.constant 0 : i32
      %broadcast_in_dim3A_275 = vector.broadcast %broadcast_in_dim3A_274 : i32 to vector<16xi32>
      %ne3A_276 = arith.constant 0 : i32
      %ne3A_277 = vector.broadcast %ne3A_276 : i32 to vector<16xi32>
      %ne3A_278 = arith.cmpi ne, %select_n3A_271, %ne3A_277 : vector<16xi32>
      %gt3A_279 = arith.cmpf ogt, %get3A_199, %broadcast_in_dim3A_273 : vector<16xf32>
      %and3A_280 = arith.andi %ne3A_278, %gt3A_279 : vector<16xi1>
      %select_n3A_281 = arith.select %and3A_280, %get3A_199, %broadcast_in_dim3A_273 : vector<16xi1>, vector<16xf32>
      %jit3A_282 = arith.constant 0 : i32
      %broadcast_in_dim3A_283 = vector.broadcast %jit3A_282 : i32 to vector<16xi32>
      %select_n3A_284 = arith.select %and3A_280, %broadcast_in_dim3A_283, %broadcast_in_dim3A_275 : vector<16xi1>, vector<16xi32>
      %ne3A_285 = arith.constant 1 : i32
      %ne3A_286 = vector.broadcast %ne3A_285 : i32 to vector<16xi32>
      %ne3A_287 = arith.cmpi ne, %select_n3A_271, %ne3A_286 : vector<16xi32>
      %gt3A_288 = arith.cmpf ogt, %get3A_204, %select_n3A_281 : vector<16xf32>
      %and3A_289 = arith.andi %ne3A_287, %gt3A_288 : vector<16xi1>
      %select_n3A_290 = arith.select %and3A_289, %get3A_204, %select_n3A_281 : vector<16xi1>, vector<16xf32>
      %jit3A_291 = arith.constant 1 : i32
      %broadcast_in_dim3A_292 = vector.broadcast %jit3A_291 : i32 to vector<16xi32>
      %select_n3A_293 = arith.select %and3A_289, %broadcast_in_dim3A_292, %select_n3A_284 : vector<16xi1>, vector<16xi32>
      %ne3A_294 = arith.constant 2 : i32
      %ne3A_295 = vector.broadcast %ne3A_294 : i32 to vector<16xi32>
      %ne3A_296 = arith.cmpi ne, %select_n3A_271, %ne3A_295 : vector<16xi32>
      %gt3A_297 = arith.cmpf ogt, %get3A_209, %select_n3A_290 : vector<16xf32>
      %and3A_298 = arith.andi %ne3A_296, %gt3A_297 : vector<16xi1>
      %select_n3A_299 = arith.select %and3A_298, %get3A_209, %select_n3A_290 : vector<16xi1>, vector<16xf32>
      %jit3A_300 = arith.constant 2 : i32
      %broadcast_in_dim3A_301 = vector.broadcast %jit3A_300 : i32 to vector<16xi32>
      %select_n3A_302 = arith.select %and3A_298, %broadcast_in_dim3A_301, %select_n3A_293 : vector<16xi1>, vector<16xi32>
      %ne3A_303 = arith.constant 3 : i32
      %ne3A_304 = vector.broadcast %ne3A_303 : i32 to vector<16xi32>
      %ne3A_305 = arith.cmpi ne, %select_n3A_271, %ne3A_304 : vector<16xi32>
      %gt3A_306 = arith.cmpf ogt, %get3A_214, %select_n3A_299 : vector<16xf32>
      %and3A_307 = arith.andi %ne3A_305, %gt3A_306 : vector<16xi1>
      %select_n3A_308 = arith.select %and3A_307, %get3A_214, %select_n3A_299 : vector<16xi1>, vector<16xf32>
      %jit3A_309 = arith.constant 3 : i32
      %broadcast_in_dim3A_310 = vector.broadcast %jit3A_309 : i32 to vector<16xi32>
      %select_n3A_311 = arith.select %and3A_307, %broadcast_in_dim3A_310, %select_n3A_302 : vector<16xi1>, vector<16xi32>
      %ne3A_312 = arith.constant 4 : i32
      %ne3A_313 = vector.broadcast %ne3A_312 : i32 to vector<16xi32>
      %ne3A_314 = arith.cmpi ne, %select_n3A_271, %ne3A_313 : vector<16xi32>
      %gt3A_315 = arith.cmpf ogt, %get3A_219, %select_n3A_308 : vector<16xf32>
      %and3A_316 = arith.andi %ne3A_314, %gt3A_315 : vector<16xi1>
      %select_n3A_317 = arith.select %and3A_316, %get3A_219, %select_n3A_308 : vector<16xi1>, vector<16xf32>
      %jit3A_318 = arith.constant 4 : i32
      %broadcast_in_dim3A_319 = vector.broadcast %jit3A_318 : i32 to vector<16xi32>
      %select_n3A_320 = arith.select %and3A_316, %broadcast_in_dim3A_319, %select_n3A_311 : vector<16xi1>, vector<16xi32>
      %ne3A_321 = arith.constant 5 : i32
      %ne3A_322 = vector.broadcast %ne3A_321 : i32 to vector<16xi32>
      %ne3A_323 = arith.cmpi ne, %select_n3A_271, %ne3A_322 : vector<16xi32>
      %gt3A_324 = arith.cmpf ogt, %get3A_224, %select_n3A_317 : vector<16xf32>
      %and3A_325 = arith.andi %ne3A_323, %gt3A_324 : vector<16xi1>
      %select_n3A_326 = arith.select %and3A_325, %get3A_224, %select_n3A_317 : vector<16xi1>, vector<16xf32>
      %jit3A_327 = arith.constant 5 : i32
      %broadcast_in_dim3A_328 = vector.broadcast %jit3A_327 : i32 to vector<16xi32>
      %select_n3A_329 = arith.select %and3A_325, %broadcast_in_dim3A_328, %select_n3A_320 : vector<16xi1>, vector<16xi32>
      %ne3A_330 = arith.constant 6 : i32
      %ne3A_331 = vector.broadcast %ne3A_330 : i32 to vector<16xi32>
      %ne3A_332 = arith.cmpi ne, %select_n3A_271, %ne3A_331 : vector<16xi32>
      %gt3A_333 = arith.cmpf ogt, %get3A_229, %select_n3A_326 : vector<16xf32>
      %and3A_334 = arith.andi %ne3A_332, %gt3A_333 : vector<16xi1>
      %select_n3A_335 = arith.select %and3A_334, %get3A_229, %select_n3A_326 : vector<16xi1>, vector<16xf32>
      %jit3A_336 = arith.constant 6 : i32
      %broadcast_in_dim3A_337 = vector.broadcast %jit3A_336 : i32 to vector<16xi32>
      %select_n3A_338 = arith.select %and3A_334, %broadcast_in_dim3A_337, %select_n3A_329 : vector<16xi1>, vector<16xi32>
      %ne3A_339 = arith.constant 7 : i32
      %ne3A_340 = vector.broadcast %ne3A_339 : i32 to vector<16xi32>
      %ne3A_341 = arith.cmpi ne, %select_n3A_271, %ne3A_340 : vector<16xi32>
      %gt3A_342 = arith.cmpf ogt, %get3A_234, %select_n3A_335 : vector<16xf32>
      %and3A_343 = arith.andi %ne3A_341, %gt3A_342 : vector<16xi1>
      %select_n3A_344 = arith.select %and3A_343, %get3A_234, %select_n3A_335 : vector<16xi1>, vector<16xf32>
      %jit3A_345 = arith.constant 7 : i32
      %broadcast_in_dim3A_346 = vector.broadcast %jit3A_345 : i32 to vector<16xi32>
      %select_n3A_347 = arith.select %and3A_343, %broadcast_in_dim3A_346, %select_n3A_338 : vector<16xi1>, vector<16xi32>
      %sub3A_348 = arith.subf %select_n3A_344, %select_n3A_268 : vector<16xf32>
      %exp3A_349 = math.exp %sub3A_348 : vector<16xf32>
      %add3A_350 = arith.constant 1.000000e+00 : f32
      %add3A_351 = vector.broadcast %add3A_350 : f32 to vector<16xf32>
      %add3A_352 = arith.addf %add3A_351, %exp3A_349 : vector<16xf32>
      %div3A_353 = arith.constant 1.000000e+00 : f32
      %div3A_354 = vector.broadcast %div3A_353 : f32 to vector<16xf32>
      %div3A_355 = arith.divf %div3A_354, %add3A_352 : vector<16xf32>
      %swap3A_356 = arith.index_cast %mul3A_194 : i32 to index
      %swap3A_357 = tpu.vector_load %arg6[%swap3A_356] {strides = array<i32>} : memref<1024xi32, #tpu.memory_space<vmem>>, vector<16xi32>,
      %swap3A_358 = vector.shape_cast %swap3A_357 : vector<16xi32> to vector<16xi32>
      %swap3A_359 = vector.shape_cast %select_n3A_271 : vector<16xi32> to vector<16xi32>
      tpu.vector_store %arg6[%swap3A_356], %swap3A_359 {strides = array<i32>} : memref<1024xi32, #tpu.memory_space<vmem>>, vector<16xi32>,
      %swap3A_360 = arith.index_cast %mul3A_194 : i32 to index
      %swap3A_361 = tpu.vector_load %arg7[%swap3A_360] {strides = array<i32>} : memref<1024xi32, #tpu.memory_space<vmem>>, vector<16xi32>,
      %swap3A_362 = vector.shape_cast %swap3A_361 : vector<16xi32> to vector<16xi32>
      %swap3A_363 = vector.shape_cast %select_n3A_347 : vector<16xi32> to vector<16xi32>
      tpu.vector_store %arg7[%swap3A_360], %swap3A_363 {strides = array<i32>} : memref<1024xi32, #tpu.memory_space<vmem>>, vector<16xi32>,
      %swap3A_364 = arith.index_cast %mul3A_194 : i32 to index
      %swap3A_365 = tpu.vector_load %arg8[%swap3A_364] {strides = array<i32>} : memref<1024xf32, #tpu.memory_space<vmem>>, vector<16xf32>,
      %swap3A_366 = vector.shape_cast %swap3A_365 : vector<16xf32> to vector<16xf32>
      %swap3A_367 = vector.shape_cast %div3A_355 : vector<16xf32> to vector<16xf32>
      tpu.vector_store %arg8[%swap3A_364], %swap3A_367 {strides = array<i32>} : memref<1024xf32, #tpu.memory_space<vmem>>, vector<16xf32>,
      %sub3A_368 = arith.constant 1.000000e+00 : f32
      %sub3A_369 = vector.broadcast %sub3A_368 : f32 to vector<16xf32>
      %sub3A_370 = arith.subf %sub3A_369, %div3A_355 : vector<16xf32>
      %swap3A_371 = arith.index_cast %mul3A_194 : i32 to index
      %swap3A_372 = tpu.vector_load %arg9[%swap3A_371] {strides = array<i32>} : memref<1024xf32, #tpu.memory_space<vmem>>, vector<16xf32>,
      %swap3A_373 = vector.shape_cast %swap3A_372 : vector<16xf32> to vector<16xf32>
      %swap3A_374 = vector.shape_cast %sub3A_370 : vector<16xf32> to vector<16xf32>
      tpu.vector_store %arg9[%swap3A_371], %swap3A_374 {strides = array<i32>} : memref<1024xf32, #tpu.memory_space<vmem>>, vector<16xf32>,
    }
    %scan3A_7 = arith.constant 32 : i32
    %mul3A_8 = arith.constant 1024 : i32
    %mul3A_9 = arith.muli %add3A, %mul3A_8 : i32
    %run_scoped3A = arith.constant 0 : i32
    "tpu.region"() ({
      %run_scoped3A_13 = tpu.sem_alloc : memref<!tpu.dma_semaphore, #tpu.memory_space<semaphore_mem>>
      %dma_start3A = tpu.memref_slice %arg3[%run_scoped3A, %mul3A_9] : memref<2x32768xi32, #tpu.memory_space<hbm>> -> memref<1x1024xi32, #tpu.memory_space<hbm>>
      %dma_start3A_14 = tpu.memref_squeeze %dma_start3A : memref<1x1024xi32, #tpu.memory_space<hbm>> -> memref<1024xi32, #tpu.memory_space<hbm>>
      %dma_start3A_15 = tpu.memref_slice %arg3[%run_scoped3A, %mul3A_9] : memref<2x32768xi32, #tpu.memory_space<hbm>> -> memref<1x1024xi32, #tpu.memory_space<hbm>>
      %dma_start3A_16 = tpu.memref_squeeze %dma_start3A_15 : memref<1x1024xi32, #tpu.memory_space<hbm>> -> memref<1024xi32, #tpu.memory_space<hbm>>
      tpu.enqueue_dma source(%arg6 : memref<1024xi32, #tpu.memory_space<vmem>>) target(%dma_start3A_16 : memref<1024xi32, #tpu.memory_space<hbm>>) target_semaphore(%run_scoped3A_13 : memref<!tpu.dma_semaphore, #tpu.memory_space<semaphore_mem>>)
      %dma_wait3A = tpu.memref_slice %arg3[%run_scoped3A, %mul3A_9] : memref<2x32768xi32, #tpu.memory_space<hbm>> -> memref<1x1024xi32, #tpu.memory_space<hbm>>
      %dma_wait3A_17 = tpu.memref_squeeze %dma_wait3A : memref<1x1024xi32, #tpu.memory_space<hbm>> -> memref<1024xi32, #tpu.memory_space<hbm>>
      %dma_wait3A_18 = tpu.memref_slice %arg3[%run_scoped3A, %mul3A_9] : memref<2x32768xi32, #tpu.memory_space<hbm>> -> memref<1x1024xi32, #tpu.memory_space<hbm>>
      %dma_wait3A_19 = tpu.memref_squeeze %dma_wait3A_18 : memref<1x1024xi32, #tpu.memory_space<hbm>> -> memref<1024xi32, #tpu.memory_space<hbm>>
      tpu.wait_dma2 semaphore(%run_scoped3A_13 : memref<!tpu.dma_semaphore, #tpu.memory_space<semaphore_mem>>) src(%arg6 : memref<1024xi32, #tpu.memory_space<vmem>>) dst(%dma_wait3A_19 : memref<1024xi32, #tpu.memory_space<hbm>>)
      tpu.yield
    }) : () -> ()
    %run_scoped3A_10 = arith.constant 1 : i32
    "tpu.region"() ({
      %run_scoped3A_13 = tpu.sem_alloc : memref<!tpu.dma_semaphore, #tpu.memory_space<semaphore_mem>>
      %dma_start3A = tpu.memref_slice %arg3[%run_scoped3A_10, %mul3A_9] : memref<2x32768xi32, #tpu.memory_space<hbm>> -> memref<1x1024xi32, #tpu.memory_space<hbm>>
      %dma_start3A_14 = tpu.memref_squeeze %dma_start3A : memref<1x1024xi32, #tpu.memory_space<hbm>> -> memref<1024xi32, #tpu.memory_space<hbm>>
      %dma_start3A_15 = tpu.memref_slice %arg3[%run_scoped3A_10, %mul3A_9] : memref<2x32768xi32, #tpu.memory_space<hbm>> -> memref<1x1024xi32, #tpu.memory_space<hbm>>
      %dma_start3A_16 = tpu.memref_squeeze %dma_start3A_15 : memref<1x1024xi32, #tpu.memory_space<hbm>> -> memref<1024xi32, #tpu.memory_space<hbm>>
      tpu.enqueue_dma source(%arg7 : memref<1024xi32, #tpu.memory_space<vmem>>) target(%dma_start3A_16 : memref<1024xi32, #tpu.memory_space<hbm>>) target_semaphore(%run_scoped3A_13 : memref<!tpu.dma_semaphore, #tpu.memory_space<semaphore_mem>>)
      %dma_wait3A = tpu.memref_slice %arg3[%run_scoped3A_10, %mul3A_9] : memref<2x32768xi32, #tpu.memory_space<hbm>> -> memref<1x1024xi32, #tpu.memory_space<hbm>>
      %dma_wait3A_17 = tpu.memref_squeeze %dma_wait3A : memref<1x1024xi32, #tpu.memory_space<hbm>> -> memref<1024xi32, #tpu.memory_space<hbm>>
      %dma_wait3A_18 = tpu.memref_slice %arg3[%run_scoped3A_10, %mul3A_9] : memref<2x32768xi32, #tpu.memory_space<hbm>> -> memref<1x1024xi32, #tpu.memory_space<hbm>>
      %dma_wait3A_19 = tpu.memref_squeeze %dma_wait3A_18 : memref<1x1024xi32, #tpu.memory_space<hbm>> -> memref<1024xi32, #tpu.memory_space<hbm>>
      tpu.wait_dma2 semaphore(%run_scoped3A_13 : memref<!tpu.dma_semaphore, #tpu.memory_space<semaphore_mem>>) src(%arg7 : memref<1024xi32, #tpu.memory_space<vmem>>) dst(%dma_wait3A_19 : memref<1024xi32, #tpu.memory_space<hbm>>)
      tpu.yield
    }) : () -> ()
    %run_scoped3A_11 = arith.constant 0 : i32
    "tpu.region"() ({
      %run_scoped3A_13 = tpu.sem_alloc : memref<!tpu.dma_semaphore, #tpu.memory_space<semaphore_mem>>
      %dma_start3A = tpu.memref_slice %arg4[%run_scoped3A_11, %mul3A_9] : memref<2x32768xf32, #tpu.memory_space<hbm>> -> memref<1x1024xf32, #tpu.memory_space<hbm>>
      %dma_start3A_14 = tpu.memref_squeeze %dma_start3A : memref<1x1024xf32, #tpu.memory_space<hbm>> -> memref<1024xf32, #tpu.memory_space<hbm>>
      %dma_start3A_15 = tpu.memref_slice %arg4[%run_scoped3A_11, %mul3A_9] : memref<2x32768xf32, #tpu.memory_space<hbm>> -> memref<1x1024xf32, #tpu.memory_space<hbm>>
      %dma_start3A_16 = tpu.memref_squeeze %dma_start3A_15 : memref<1x1024xf32, #tpu.memory_space<hbm>> -> memref<1024xf32, #tpu.memory_space<hbm>>
      tpu.enqueue_dma source(%arg8 : memref<1024xf32, #tpu.memory_space<vmem>>) target(%dma_start3A_16 : memref<1024xf32, #tpu.memory_space<hbm>>) target_semaphore(%run_scoped3A_13 : memref<!tpu.dma_semaphore, #tpu.memory_space<semaphore_mem>>)
      %dma_wait3A = tpu.memref_slice %arg4[%run_scoped3A_11, %mul3A_9] : memref<2x32768xf32, #tpu.memory_space<hbm>> -> memref<1x1024xf32, #tpu.memory_space<hbm>>
      %dma_wait3A_17 = tpu.memref_squeeze %dma_wait3A : memref<1x1024xf32, #tpu.memory_space<hbm>> -> memref<1024xf32, #tpu.memory_space<hbm>>
      %dma_wait3A_18 = tpu.memref_slice %arg4[%run_scoped3A_11, %mul3A_9] : memref<2x32768xf32, #tpu.memory_space<hbm>> -> memref<1x1024xf32, #tpu.memory_space<hbm>>
      %dma_wait3A_19 = tpu.memref_squeeze %dma_wait3A_18 : memref<1x1024xf32, #tpu.memory_space<hbm>> -> memref<1024xf32, #tpu.memory_space<hbm>>
      tpu.wait_dma2 semaphore(%run_scoped3A_13 : memref<!tpu.dma_semaphore, #tpu.memory_space<semaphore_mem>>) src(%arg8 : memref<1024xf32, #tpu.memory_space<vmem>>) dst(%dma_wait3A_19 : memref<1024xf32, #tpu.memory_space<hbm>>)
      tpu.yield
    }) : () -> ()
    %run_scoped3A_12 = arith.constant 1 : i32
    "tpu.region"() ({
      %run_scoped3A_13 = tpu.sem_alloc : memref<!tpu.dma_semaphore, #tpu.memory_space<semaphore_mem>>
      %dma_start3A = tpu.memref_slice %arg4[%run_scoped3A_12, %mul3A_9] : memref<2x32768xf32, #tpu.memory_space<hbm>> -> memref<1x1024xf32, #tpu.memory_space<hbm>>
      %dma_start3A_14 = tpu.memref_squeeze %dma_start3A : memref<1x1024xf32, #tpu.memory_space<hbm>> -> memref<1024xf32, #tpu.memory_space<hbm>>
      %dma_start3A_15 = tpu.memref_slice %arg4[%run_scoped3A_12, %mul3A_9] : memref<2x32768xf32, #tpu.memory_space<hbm>> -> memref<1x1024xf32, #tpu.memory_space<hbm>>
      %dma_start3A_16 = tpu.memref_squeeze %dma_start3A_15 : memref<1x1024xf32, #tpu.memory_space<hbm>> -> memref<1024xf32, #tpu.memory_space<hbm>>
      tpu.enqueue_dma source(%arg9 : memref<1024xf32, #tpu.memory_space<vmem>>) target(%dma_start3A_16 : memref<1024xf32, #tpu.memory_space<hbm>>) target_semaphore(%run_scoped3A_13 : memref<!tpu.dma_semaphore, #tpu.memory_space<semaphore_mem>>)
      %dma_wait3A = tpu.memref_slice %arg4[%run_scoped3A_12, %mul3A_9] : memref<2x32768xf32, #tpu.memory_space<hbm>> -> memref<1x1024xf32, #tpu.memory_space<hbm>>
      %dma_wait3A_17 = tpu.memref_squeeze %dma_wait3A : memref<1x1024xf32, #tpu.memory_space<hbm>> -> memref<1024xf32, #tpu.memory_space<hbm>>
      %dma_wait3A_18 = tpu.memref_slice %arg4[%run_scoped3A_12, %mul3A_9] : memref<2x32768xf32, #tpu.memory_space<hbm>> -> memref<1x1024xf32, #tpu.memory_space<hbm>>
      %dma_wait3A_19 = tpu.memref_squeeze %dma_wait3A_18 : memref<1x1024xf32, #tpu.memory_space<hbm>> -> memref<1024xf32, #tpu.memory_space<hbm>>
      tpu.wait_dma2 semaphore(%run_scoped3A_13 : memref<!tpu.dma_semaphore, #tpu.memory_space<semaphore_mem>>) src(%arg9 : memref<1024xf32, #tpu.memory_space<vmem>>) dst(%dma_wait3A_19 : memref<1024xf32, #tpu.memory_space<hbm>>)
      tpu.yield
    }) : () -> ()
    return
  }
}

module attributes {stable_mosaic.version = 14 : i64} {
  func.func @body(%arg0: i32, %arg1: memref<8x1024xf32, #tpu.memory_space<vmem>>, %arg2: memref<2048x1024xf32, #tpu.memory_space<vmem>>, %arg3: memref<8x2048xf32, #tpu.memory_space<vmem>>) attributes {dimension_semantics = [#tpu.dimension_semantics<arbitrary>], iteration_bounds = array<i64: 16>, scalar_prefetch = 0 : i64, scratch_operands = 0 : i64, tpu.core_type = #tpu.core_type<tc>, window_params = [{pipeline_mode = #tpu.pipeline_mode<synchronous>, transform_indices = @transform_0, window_bounds = array<i64: 8, 1024>}, {transform_indices = @transform_1, window_bounds = array<i64: 2048, 1024>}, {transform_indices = @transform_2, window_bounds = array<i64: 8, 2048>}]} {
    %get3A = arith.constant 0 : index
    %get3A_0 = arith.constant 0 : index
    %get3A_1 = vector.load %arg1[%get3A, %get3A_0] : memref<8x1024xf32, #tpu.memory_space<vmem>>, vector<8x1024xf32>
    %get3A_2 = arith.constant 0 : index
    %get3A_3 = arith.constant 0 : index
    %get3A_4 = vector.load %arg2[%get3A_2, %get3A_3] : memref<2048x1024xf32, #tpu.memory_space<vmem>>, vector<2048x1024xf32>
    %dot_general3A = arith.constant dense<0.000000e+00> : vector<8x2048xf32>
    %dot_general3A_5 = tpu.matmul %get3A_1, %get3A_4, %dot_general3A {dimension_numbers = #tpu.dot_dimension_numbers<[1], [1], [0], [0], [0, 0, 1, 0], [], []>, transpose_lhs_hint = false} : vector<8x1024xf32>, vector<2048x1024xf32>, vector<8x2048xf32> -> vector<8x2048xf32>
    %swap3A = arith.constant 0 : index
    %swap3A_6 = arith.constant 0 : index
    %swap3A_7 = vector.load %arg3[%swap3A, %swap3A_6] : memref<8x2048xf32, #tpu.memory_space<vmem>>, vector<8x2048xf32>
    tpu.vector_store %arg3[%swap3A, %swap3A_6], %dot_general3A_5 {strides = array<i32>} : memref<8x2048xf32, #tpu.memory_space<vmem>>, vector<8x2048xf32>,
    return
  }
  func.func @transform_0(%arg0: i32) -> (i32, i32) {
    %c0_i32 = arith.constant 0 : i32
    %c0_i32_0 = arith.constant 0 : i32
    %c0_i32_1 = arith.constant 0 : i32
    return %c0_i32, %c0_i32_0 : i32, i32
  }
  func.func @transform_1(%arg0: i32) -> (i32, i32) {
    %add3A = arith.constant 0 : i32
    %add3A_0 = arith.addi %add3A, %arg0 : i32
    %c0_i32 = arith.constant 0 : i32
    %c0_i32_1 = arith.constant 0 : i32
    return %add3A_0, %c0_i32 : i32, i32
  }
  func.func @transform_2(%arg0: i32) -> (i32, i32) {
    %c0_i32 = arith.constant 0 : i32
    %c0_i32_0 = arith.constant 0 : i32
    return %c0_i32, %arg0 : i32, i32
  }
}

</mosaic_0001>

<sc_bundles>
// kernel: kernel.4.cloned.1.call-start
scs
__scs_entry_jumppad:
0x0: {  	(pc) =	sbr.rel $0x88, $3  }
0x1: {  	(tag) =	ssettag $0x0;
	lr =	simm.s32 $0x1  }
0x2: {  	[smem:$0x3F9F] =	sst lr;
	_ =	strace $0xD0000000  }
0x3: {  	_ = 	snop  }
0x4: {  	_ = 	snop  }
0x5: {  	_ = 	snop  }
0x6: {  	_ = 	snop  }
0x7: {  	_ = 	snop  }
__scs_overlays_trampoline_lowered:
0x8: {  	[smem:$0x3FAE] =	sst s0  }
0x9: {  	[smem:$0x3FAF] =	sst s1  }
0xa: {  	[smem:$0x3FB0] =	sst s2  }
0xb: {  	[smem:$0x3FB1] =	sst s3  }
0xc: {  	[smem:$0x3FB2] =	sst s4  }
0xd: {  	[smem:$0x3FB3] =	sst s5  }
0xe: {  	[smem:$0x3FB4] =	sst s6  }
0xf: {  	[smem:$0x3FB5] =	sst s7  }
0x10: {  	[smem:$0x3FB6] =	sst s8  }
0x11: {  	[smem:$0x3FB7] =	sst s9;
	s0 =	simm.s32 @!p0 $0x0  }
0x12: {  	s1 =	sld [smem:$0x3F9D];
	s0 =	simm.s32 @p0 $0x1  }
0x13: {  	[smem:$0x3FB8] =	sst s0;
	s0 =	simm.s32 @!p1 $0x0  }
0x14: {  	s2 =	sld [smem:$0x3F9C];
	s0 =	simm.s32 @p1 $0x1  }
0x15: {  	[smem:$0x3FB9] =	sst s0;
	s0 =	simm.s32 @!p2 $0x0  }
0x16: {  	s3 =	sld [smem:$0x3FDB];
	s0 =	simm.s32 @p2 $0x1  }
0x17: {  	s4 =	simm.s32 $0x1BF5;
	[smem:$0x3FBB] =	sst s0  }
0x18: {  	s0 =	sld [smem:$0x3F9E];
	_ =	swait.ge [sflag:s4], $0x0  }
0x19: {  	s7 =	sld [smem:$0x3F9F]  }
0x1a: {  	s8 =	sadd.s32 $0xFFFFE003, lr  }
0x1b: {  	s9 =	sadd.s32 $0xFFFFFEF7, lr;
	s5 =	simm.s32 $0xFFFFFFFF;
	p2 =	slt.u32 s8, $0xFFFFF086  }
0x1c: {  	p1 =	slt.u32 s9, $0xF7A;
	s5 =	simm.s32 @!p2 $0x0  }
0x1d: {  	s5 =	simm.s32 @p1 $0x1;
	p0 =	seq.s32 s7, s2  }
0x1e: {  	s7 =	smul.u32 @!p0 $0xF7A, s2;
	p2 =	seq.s32 @!p0 s5, $0x0  }
0x1f: {  	s9 =	smul.u32 $0xF7A, s1;
	s8 =	simm.s32 @!p0 $0x1BF5;
	p2 =	por !p2, p0  }
0x20: {  	[sflag:s8] =	ssyncset.s32 @!p0 $0xFFFFF086;
	s6 =	sadd.s32 @!p0 s3, s7;
	s7 =	simm.s32 @!p0 $0x108  }
0x21: {  	s3 =	sadd.s32 s3, s9;
	s6 =	sadd.s32 @!p0 $0x88, s6;
	s7 =	simm.s32 @p2 $0x1082  }
0x22: {  	[simem:s7], [sflag:s8] =	dma.local @!p0 [hbm:s6], $0xF7A  }
0x23: {  	s9 =	sor.u32 $0xD0000000, s2;
	s6 =	simm.s32 $0x108;
	_ =	swait.ge @!p0 [sflag:s8], $0x0  }
0x24: {  	s3 =	sadd.s32 $0x88, s3;
	s6 =	simm.s32 @!p1 $0x1082;
	[sflag:s4] =	ssyncset.s32 $0xFFFFF086  }
0x25: {  	[simem:s6], [sflag:s4] =	dma.local [hbm:s3], $0xF7A  }
0x26: {  	[smem:$0x3F9F] =	sst s1;
	(tag) =	ssettag s2;
	_ =	strace s9  }
0x27: {  	s1 =	sld [smem:$0x3FAF]  }
0x28: {  	s2 =	sld [smem:$0x3FB0]  }
0x29: {  	s4 =	sld [smem:$0x3FB2]  }
0x2a: {  	p0 =	seq.s32 s5, $0x0;
	s5 =	sld [smem:$0x3FB3]  }
0x2b: {  	s6 =	sld [smem:$0x3FB4]  }
0x2c: {  	s7 =	sld [smem:$0x3FB5]  }
0x2d: {  	s3 =	simm.s32 $0x108;
	s8 =	sld [smem:$0x3FB6]  }
0x2e: {  	s3 =	simm.s32 @!p0 $0x1082;
	s9 =	sld [smem:$0x3FB7]  }
0x2f: {  	lr =	sadd.s32 s0, s3;
	s0 =	sld [smem:$0x3FAE]  }
0x30: {  	s3 =	sld [smem:$0x3FB1]  }
0x31: {  	[smem:$0x3FBA] =	sst s10  }
0x32: {  	s10 =	sld [smem:$0x3FB8];
	_ =	sdelay $0x3  }
0x33: {  	p0 =	seq.s32 s10, $0x1;
	s10 =	sld [smem:$0x3FBA];
	_ =	sdelay $0x3  }
0x34: {  	[smem:$0x3FBA] =	sst s10  }
0x35: {  	s10 =	sld [smem:$0x3FB9];
	_ =	sdelay $0x3  }
0x36: {  	p1 =	seq.s32 s10, $0x1;
	s10 =	sld [smem:$0x3FBA];
	_ =	sdelay $0x3  }
0x37: {  	[smem:$0x3FBA] =	sst s10  }
0x38: {  	s10 =	sld [smem:$0x3FBB]  }
0x39: {  	_ = 	snop;
	(pc) =	sbr.ind lr, $3  }
0x3a: {  	_ = 	snop  }
0x3b: {  	_ = 	snop  }
0x3c: {  	p2 =	seq.s32 s10, $0x1;
	s10 =	sld [smem:$0x3FBA]  }
0x3d: {  	_ =	shalt  }
0x3e: {  	_ =	shalt  }
0x3f: {  	_ =	shalt  }
0x40: {  	_ =	shalt  }
0x41: {  	_ =	shalt  }
0x42: {  	_ =	shalt  }
0x43: {  	_ =	shalt  }
0x44: {  	_ =	shalt  }
0x45: {  	_ =	shalt  }
0x46: {  	_ =	shalt  }
0x47: {  	_ =	shalt  }
0x48: {  	_ =	shalt  }
0x49: {  	_ =	shalt  }
0x4a: {  	_ =	shalt  }
0x4b: {  	_ =	shalt  }
0x4c: {  	_ =	shalt  }
0x4d: {  	_ =	shalt  }
0x4e: {  	_ =	shalt  }
0x4f: {  	_ =	shalt  }
0x50: {  	_ =	shalt  }
0x51: {  	_ =	shalt  }
0x52: {  	_ =	shalt  }
0x53: {  	_ =	shalt  }
0x54: {  	_ =	shalt  }
0x55: {  	_ =	shalt  }
0x56: {  	_ =	shalt  }
0x57: {  	_ =	shalt  }
0x58: {  	_ =	shalt  }
0x59: {  	_ =	shalt  }
0x5a: {  	_ =	shalt  }
0x5b: {  	_ =	shalt  }
0x5c: {  	_ =	shalt  }
0x5d: {  	_ =	shalt  }
0x5e: {  	_ =	shalt  }
0x5f: {  	_ =	shalt  }
0x60: {  	_ =	shalt  }
0x61: {  	_ =	shalt  }
0x62: {  	_ =	shalt  }
0x63: {  	_ =	shalt  }
0x64: {  	_ =	shalt  }
0x65: {  	_ =	shalt  }
0x66: {  	_ =	shalt  }
0x67: {  	_ =	shalt  }
0x68: {  	_ =	shalt  }
0x69: {  	_ =	shalt  }
0x6a: {  	_ =	shalt  }
0x6b: {  	_ =	shalt  }
0x6c: {  	_ =	shalt  }
0x6d: {  	_ =	shalt  }
0x6e: {  	_ =	shalt  }
0x6f: {  	_ =	shalt  }
0x70: {  	_ =	shalt  }
0x71: {  	_ =	shalt  }
0x72: {  	_ =	shalt  }
0x73: {  	_ =	shalt  }
0x74: {  	_ =	shalt  }
0x75: {  	_ =	shalt  }
0x76: {  	_ =	shalt  }
0x77: {  	_ =	shalt  }
0x78: {  	_ =	shalt  }
0x79: {  	_ =	shalt  }
0x7a: {  	_ =	shalt  }
0x7b: {  	_ =	shalt  }
0x7c: {  	_ =	shalt  }
0x7d: {  	_ =	shalt  }
0x7e: {  	_ =	shalt  }
0x7f: {  	_ =	shalt  }
0x80: {  	_ =	shalt  }
0x81: {  	_ =	shalt  }
0x82: {  	_ =	shalt  }
0x83: {  	_ =	shalt  }
0x84: {  	_ =	shalt  }
0x85: {  	_ =	shalt  }
0x86: {  	_ =	shalt  }
0x87: {  	_ =	shalt  }
.Lfunc_end0:
.L_simem_size_0:
called_computation_lowered:
.L_overlay_start_0:
0x88: {  	s2 =	sld [smem:$0x3FD9]  }
0x89: {  	s3 =	sld [smem:$0x3FFE];
	_ =	sdelay $0x1  }
0x8a: {  	s1 =	srdreg.scid  }
0x8b: {  	s0 =	sand.u32 $0x1, s1  }
0x8c: {  	s14 =	sshll.u32 s0, $0xA;
	s2 =	sadd.s32 s3, s2  }
0x8d: {  	s2 =	sadd.s32 s2, s14  }
0x8e: {  	[smem:$0x3FC6] =	sst s2  }
0x8f: {  	_ = 	snop  }
0x90: {  	s2 =	sld [smem:$0x3FD0];
	_ =	sdelay $0x2  }
0x91: {  	s15 =	simm.s32 $0xA;
	s4 =	simm.s32 $0x10  }
0x92: {  	[smem:s4], [sflag:s15] =	dma.local [hbm:s2], $0x1  }
0x93: {  	_ =	swait.eq [sflag:s15], $0x1  }
0x94: {  	[sflag:s15] =	ssyncset.done $0x0  }
0x95: {  	s16 =	sld [smem:$0x10];
	[sflag:s15] =	ssyncadd.s32 $0xFFFFFFFF  }
0x96: {  	s17 =	sld [smem:$0x11];
	(tm) =	ssettm $0x1  }
0x97: {  	s18 =	sld [smem:$0x3FFB];
	_ =	sdelay $0x3  }
0x98: {  	_ =	strace s18  }
0x99: {  	s4 =	sld [smem:$0x3FFC];
	_ =	sdelay $0x3  }
0x9a: {  	_ =	strace s4  }
0x9b: {  	s4 =	sld [smem:$0x3FFD];
	_ =	sdelay $0x3  }
0x9c: {  	_ =	strace s4  }
0x9d: {  	_ =	strace $0x8FFFFFFF  }
0x9e: {  	s19 =	sld [smem:$0x3FDB];
	_ =	sdelay $0x1  }
0x9f: {  	s5 =	simm.s32 $_scs_section_size  }
0xa0: {  	s6 =	simm.s32 $_size__tile_overlayer_lowered;
	s7 =	simm.s32 $_tile_overlayer_lowered  }
0xa1: {  	s22 =	simm.s32 $0x1BFF;
	s21 =	sshll.u32 s7, $0x1;
	s4 =	sadd.s32 s5, s19  }
0xa2: {  	s8 =	simm.s32 $0x0;
	s20 =	sshll.u32 s6, $0x1;
	s6 =	sadd.s32 s21, s4  }
0xa3: {  	[timem:s8], [sflag:s22] =	dma.local [hbm:s6], s20  }
0xa4: {  	_ =	swait.ge [sflag:s22], s20  }
0xa5: {  	s5 =	ssub.s32 $0x0, s20;
	[sflag:s22] =	ssyncset.done $0x0  }
0xa6: {  	[sflag:s22] =	ssyncadd.s32 s5;
	_ =	sdelay $0x1  }
0xa7: {  	s23 =	simm.s32 $0x1B8B  }
0xa8: {  	_ =	swait.ge [sflag:s23], $0x1  }
0xa9: {  	[sflag:s23] =	ssyncset.done $0x0  }
0xaa: {  	s25 =	simm.s32 $0x1B8E;
	s24 =	sld [smem:$0x3FFE];
	[sflag:s23] =	ssyncadd.s32 $0xFFFFFFFF  }
0xab: {  	s26 =	simm.s32 $execute0_lowered;
	[smem:$0x3FD2] =	sst s25  }
0xac: {  	s6 =	sshll.u32 s26, $0x1;
	_ =	strace $0x80000046;
	[dreg:$0x1] =	wrdreg $0xFFFFFFFF  }
0xad: {  	s28 =	simm.s32 $_size_execute0_lowered;
	s4 =	sadd.s32 s4, s6;
	[dreg:$0x0] =	wrdreg $0x0  }
0xae: {  	s6 =	sshll.u32 s28, $0x1;
	[dreg:$0x2] =	wrdreg s4  }
0xaf: {  	[dreg:$0x3] =	wrdreg s6  }
0xb0: {  	[dreg:$0x4] =	wrdreg $0xC0  }
0xb1: {  	_ =	task [dreg:s8], $0x5FFFF  }
0xb2: {  	[dreg:$0x1] =	wrdreg $0xFFFFFFFF  }
0xb3: {  	[dreg:$0x0] =	wrdreg $0x60  }
0xb4: {  	[dreg:$0x2] =	wrdreg s24  }
0xb5: {  	[dreg:$0x3] =	wrdreg s16  }
0xb6: {  	[dreg:$0x4] =	wrdreg s17  }
0xb7: {  	[dreg:$0x5] =	wrdreg $0x9  }
0xb8: {  	_ =	task.clear_ibuf [dreg:s8], $0x6FFFF;
	_ =	strace $0x90000046  }
0xb9: {  	s29 =	simm.s32 $0x9;
	_ =	strace $0x80000048  }
0xba: {  	_ =	swait.ge [sflag:s29], $0x1  }
0xbb: {  	[sflag:s29] =	ssyncadd.s32 $0xFFFFFFFF  }
0xbc: {  	_ =	strace $0x90000048  }
0xbd: {  	_ =	sfence  }
0xbe: {  	s30 =	sld [smem:$0x0];
	_ =	sdelay $0x2  }
0xbf: {  	s31 =	sshll.u32 s1, $0xD;
	s1 =	sshrl.u32 s1, $0x2  }
0xc0: {  	s3 =	sand.u32 $0x4000, s31;
	s1 =	sadd.s32 s1, s30  }
0xc1: {  	s0 =	sor.u32 s3, s0;
	s1 =	sshll.u32 s1, $0x11  }
0xc2: {  	s0 =	sor.u32 s1, s0  }
0xc3: {  	s0 =	sadd.s32 $0x8F2B, s0  }
0xc4: {  	[sflag:s0] =	ssyncadd.remote.s32 $0x1  }
0xc5: {  	_ =	sfence.sel $0xFFFF  }
0xc6: {  	[dreg:$0x0] =	wrdreg $0xFFFFFFFF;
	(pc) =	sbr.abs _section_cstart, $3  }
0xc7: {  	[dreg:$0x1] =	wrdreg $0xFFFFFFFF  }
0xc8: {  	_ =	task.clear_ibuf [dreg:s8], $0x2FFFF;
	_ =	strace $0x9FFFFFFF  }
0xc9: {  	(tm) =	ssettm $0x7FFFFFFF  }
tec
execute0_lowered:
.L_overlay_start_1:
0x0: {  	(tag) =	ssettag $0x1  }
0x1: {  	s3 =	rddreg [dreg:$0x0]  }
0x2: {  	s5 =	rddreg [dreg:$0x1]  }
0x3: {  	s7 =	rddreg [dreg:$0x2]  }
0x4: {  	s0 =	rddreg [dreg:$0x3];
	s2 =	simm.s32 $0x0;
	s4 =	srdreg.scid  }
0x5: {  	s1 =	stileid.u32;
	s10 =	simm.s32 $0x80;
	s11 =	simm.s32 $0x100  }
0x6: {  	s12 =	simm.s32 $0x2000;
	s13 =	simm.s32 $0x2400;
	s14 =	simm.s32 $0x2800  }
0x7: {  	s15 =	simm.s32 $0x2C00;
	s16 =	simm.s32 $0x0;
	s4 =	sand.u32 $0x1, s4  }
0x8: {  	[smem:$0x7FF] =	sst s2;
	s6 =	sshll.u32 s1, $0xB;
	s8 =	sshll.u32 s4, $0xA  }
0x9: {  	s4 =	ssub.s32 $0x2, s4;
	_ =	strace $0x80000047;
	s6 =	sor.u32 s8, s6  }
0xa: {  	s31 =	sshrl.u32 s4, $0x1;
	s3 =	sadd.s32 s6, s3;
	s6 =	sshrl.u32 s6, $0x2  }
0xb: {  	s8 =	ssub.s32 s4, s31;
	s3 =	sadd.s32 $0xC00, s3;
	s4 =	sadd.s32 s5, s6  }
0xc: {  	s9 =	sor.u32 $0x10, s6;
	s6 =	sadd.s32 s7, s6;
	s8 =	smax.u32 s8, $0x1  }
0xd: {  	v0 =	vimm.s32 $0x0;
	s5 =	sadd.s32 s5, s9;
	s7 =	sadd.s32 s7, s9;
	s9 =	simm.s32 $0x1  }
.LBB2_1:
0xe: {  	[tilespmem:s2], [sflag:$0x1] =	stream.linear.gather [hbm4b:s3+s2], $0x2000, $0x38;
	[tilespmem:$0x3000] =	vst v63  }
0xf: {  	_ =	swait.ge [sflag:s9], $0x2000  }
0x10: {  	s18 =	sand.u32 $0x60, s2;
	s17 =	sand.u32 $0x1C00, s2;
	[sflag:s9] =	ssyncset.done $0x0  }
0x11: {  	s19 =	sor.u32 s18, s17;
	[sflag:s9] =	ssyncadd.s32 $0xFFFFE000  }
0x12: {  	v1 =	vld [tilespmem:s19+$0x0]  }
0x13: {  	v2 =	vld [tilespmem:s19+$0x80];
	_ =	sdelay $0x1  }
0x14: {  	v3 =	vld [tilespmem:s19+$0x100];
	_ =	sdelay $0x1  }
0x15: {  	v4 =	vld [tilespmem:s19+$0x180]  }
0x16: {  	vm0 =	vgt.f32 v2, v1  }
0x17: {  	v5 =	vld [tilespmem:s19+$0x200];
	v6 =	vsel vm0, v2, v1  }
0x18: {  	vm1 =	vgt.f32 v3, v6  }
0x19: {  	v7 =	vld [tilespmem:s19+$0x280];
	v6 =	vsel vm1, v3, v6  }
0x1a: {  	vm2 =	vgt.f32 v4, v6  }
0x1b: {  	v8 =	vld [tilespmem:s19+$0x300];
	v6 =	vsel vm2, v4, v6  }
0x1c: {  	vm3 =	vgt.f32 v5, v6  }
0x1d: {  	v9 =	vld [tilespmem:s19+$0x380];
	v6 =	vsel vm3, v5, v6  }
0x1e: {  	v10 =	vsel vm0, $0x1, v0;
	vm5 =	vgt.f32 v7, v6  }
0x1f: {  	v10 =	vsel vm1, $0x2, v10;
	v6 =	vsel vm5, v7, v6  }
0x20: {  	v10 =	vsel vm2, $0x3, v10;
	vm6 =	vgt.f32 v8, v6  }
0x21: {  	v10 =	vsel vm3, $0x4, v10;
	v6 =	vsel vm6, v8, v6  }
0x22: {  	v10 =	vsel vm5, $0x5, v10;
	vm7 =	vgt.f32 v9, v6  }
0x23: {  	v10 =	vsel vm6, $0x6, v10;
	vm0 =	vmneg vm7  }
0x24: {  	vm8 =	vlt.f32 v1, $-Inf;
	vm9 =	vgt.f32 v1, $-Inf;
	v10 =	vnsel vm0, $0x7, v10  }
0x25: {  	vm1 =	vmor vm9, vm8;
	vm10 =	vne.s32 v10, $0x0  }
0x26: {  	vm1 =	vmand vm1, vm10  }
0x27: {  	v1 =	vnsel vm1, $0xFF800000, v1  }
0x28: {  	vm11 =	vne.s32 v10, $0x1;
	vm12 =	vgt.f32 v2, v1  }
0x29: {  	vm1 =	vmand vm11, vm12  }
0x2a: {  	v1 =	vsel vm1, v2, v1  }
0x2b: {  	vm13 =	vne.s32 v10, $0x2;
	vm14 =	vgt.f32 v3, v1  }
0x2c: {  	vm2 =	vmand vm13, vm14  }
0x2d: {  	v1 =	vsel vm2, v3, v1  }
0x2e: {  	vm15 =	vne.s32 v10, $0x3;
	vm4 =	vgt.f32 v4, v1  }
0x2f: {  	vm3 =	vmand vm15, vm4  }
0x30: {  	v1 =	vsel vm3, v4, v1  }
0x31: {  	vm8 =	vne.s32 v10, $0x4;
	vm5 =	vgt.f32 v5, v1  }
0x32: {  	vm4 =	vmand vm8, vm5  }
0x33: {  	v1 =	vsel vm4, v5, v1  }
0x34: {  	vm9 =	vne.s32 v10, $0x5;
	vm6 =	vgt.f32 v7, v1  }
0x35: {  	vm5 =	vmand vm9, vm6  }
0x36: {  	v1 =	vsel vm5, v7, v1  }
0x37: {  	vm10 =	vne.s32 v10, $0x6;
	vm7 =	vgt.f32 v8, v1  }
0x38: {  	vm6 =	vmand vm10, vm7  }
0x39: {  	v1 =	vsel vm6, v8, v1  }
0x3a: {  	vm11 =	vgt.f32 v9, v1  }
0x3b: {  	vm7 =	vmand vm0, vm11  }
0x3c: {  	v2 =	vsel vm0, v6, v9;
	v1 =	vsel vm7, v9, v1  }
0x3d: {  	v1 =	vsub.f32 v1, v2;
	_ =	sdelay $0x1  }
0x3e: {  	v1 =	vmul.f32 $1.442695020e+00, v1;
	_ =	sdelay $0x1  }
0x3f: {  	(erf) = vpow2.f32 v1;
	_ =	sdelay $0x8  }
0x40: {  	v1 =	vpop (erf)  }
0x41: {  	v1 =	vadd.f32 $1.000000000e+00, v1;
	_ =	sdelay $0x1  }
0x42: {  	(erf) = vrcp.f32 v1;
	_ =	sdelay $0x2  }
0x43: {  	v1 =	vsel vm1, $0x1, v0  }
0x44: {  	v1 =	vsel vm2, $0x2, v1  }
0x45: {  	v1 =	vsel vm3, $0x3, v1  }
0x46: {  	v1 =	vsel vm4, $0x4, v1  }
0x47: {  	v1 =	vsel vm5, $0x5, v1  }
0x48: {  	v1 =	vsel vm6, $0x6, v1  }
0x49: {  	[tilespmem:s12+$0x0] =	vst v10;
	v1 =	vsel vm7, $0x7, v1;
	v2 =	vpop (erf)  }
0x4a: {  	[tilespmem:s13+$0x0] =	vst v1;
	v1 =	vsub.f32 $1.000000000e+00, v2  }
0x4b: {  	s18 =	sor.u32 $0x10, s18;
	[tilespmem:s14+$0x0] =	vst v2  }
0x4c: {  	s17 =	sor.u32 s18, s17;
	[tilespmem:s15+$0x0] =	vst v1  }
0x4d: {  	v1 =	vld [tilespmem:s17+$0x0]  }
0x4e: {  	v2 =	vld [tilespmem:s17+$0x80];
	_ =	sdelay $0x1  }
0x4f: {  	v3 =	vld [tilespmem:s17+$0x100];
	_ =	sdelay $0x1  }
0x50: {  	v57 =	vld [tilespmem:s17+$0x180]  }
0x51: {  	vm12 =	vgt.f32 v2, v1  }
0x52: {  	v58 =	vld [tilespmem:s17+$0x200];
	v59 =	vsel vm12, v2, v1  }
0x53: {  	vm13 =	vgt.f32 v3, v59  }
0x54: {  	v60 =	vld [tilespmem:s17+$0x280];
	v6 =	vsel vm13, v3, v59  }
0x55: {  	vm14 =	vgt.f32 v57, v6  }
0x56: {  	v61 =	vld [tilespmem:s17+$0x300];
	v6 =	vsel vm14, v57, v6  }
0x57: {  	vm15 =	vgt.f32 v58, v6  }
0x58: {  	v62 =	vld [tilespmem:s17+$0x380];
	v6 =	vsel vm15, v58, v6  }
0x59: {  	v63 =	vsel vm12, $0x1, v0;
	vm5 =	vgt.f32 v60, v6  }
0x5a: {  	v10 =	vsel vm13, $0x2, v63;
	v6 =	vsel vm5, v60, v6  }
0x5b: {  	v10 =	vsel vm14, $0x3, v10;
	vm6 =	vgt.f32 v61, v6  }
0x5c: {  	v10 =	vsel vm15, $0x4, v10;
	v6 =	vsel vm6, v61, v6  }
0x5d: {  	v10 =	vsel vm5, $0x5, v10;
	vm7 =	vgt.f32 v62, v6  }
0x5e: {  	v10 =	vsel vm6, $0x6, v10;
	vm0 =	vmneg vm7  }
0x5f: {  	vm8 =	vlt.f32 v1, $-Inf;
	vm9 =	vgt.f32 v1, $-Inf;
	v10 =	vnsel vm0, $0x7, v10  }
0x60: {  	vm1 =	vmor vm9, vm8;
	vm10 =	vne.s32 v10, $0x0  }
0x61: {  	vm1 =	vmand vm1, vm10  }
0x62: {  	v1 =	vnsel vm1, $0xFF800000, v1  }
0x63: {  	vm11 =	vne.s32 v10, $0x1;
	vm12 =	vgt.f32 v2, v1  }
0x64: {  	vm1 =	vmand vm11, vm12  }
0x65: {  	v1 =	vsel vm1, v2, v1  }
0x66: {  	vm13 =	vne.s32 v10, $0x2;
	vm14 =	vgt.f32 v3, v1  }
0x67: {  	vm2 =	vmand vm13, vm14  }
0x68: {  	v1 =	vsel vm2, v3, v1  }
0x69: {  	vm15 =	vne.s32 v10, $0x3;
	vm8 =	vgt.f32 v57, v1  }
0x6a: {  	vm3 =	vmand vm15, vm8  }
0x6b: {  	v1 =	vsel vm3, v57, v1  }
0x6c: {  	vm9 =	vne.s32 v10, $0x4;
	vm10 =	vgt.f32 v58, v1  }
0x6d: {  	vm4 =	vmand vm9, vm10  }
0x6e: {  	v1 =	vsel vm4, v58, v1  }
0x6f: {  	vm11 =	vne.s32 v10, $0x5;
	vm12 =	vgt.f32 v60, v1  }
0x70: {  	vm5 =	vmand vm11, vm12  }
0x71: {  	v1 =	vsel vm5, v60, v1  }
0x72: {  	vm13 =	vne.s32 v10, $0x6;
	vm14 =	vgt.f32 v61, v1  }
0x73: {  	vm6 =	vmand vm13, vm14  }
0x74: {  	v1 =	vsel vm6, v61, v1  }
0x75: {  	vm15 =	vgt.f32 v62, v1  }
0x76: {  	vm7 =	vmand vm0, vm15  }
0x77: {  	v2 =	vsel vm0, v6, v62;
	v1 =	vsel vm7, v62, v1  }
0x78: {  	v1 =	vsub.f32 v1, v2;
	_ =	sdelay $0x1  }
0x79: {  	v1 =	vmul.f32 $1.442695020e+00, v1;
	_ =	sdelay $0x1  }
0x7a: {  	(erf) = vpow2.f32 v1;
	_ =	sdelay $0x8  }
0x7b: {  	v2 =	vpop (erf)  }
0x7c: {  	v2 =	vadd.f32 $1.000000000e+00, v2;
	_ =	sdelay $0x1  }
0x7d: {  	v1 =	vsel vm1, $0x1, v0;
	(erf) = vrcp.f32 v2  }
0x7e: {  	v1 =	vsel vm2, $0x2, v1  }
0x7f: {  	v1 =	vsel vm3, $0x3, v1  }
0x80: {  	v1 =	vsel vm4, $0x4, v1  }
0x81: {  	s31 =	sand.u32 $0x380, s2;
	v1 =	vsel vm5, $0x5, v1  }
0x82: {  	s26 =	sor.u32 s31, s18;
	v1 =	vsel vm6, $0x6, v1  }
0x83: {  	s20 =	simm.s32 $0x0;
	s21 =	simm.s32 $0x2000;
	s22 =	simm.s32 $0x2400;
	[tilespmem:s26+$0x2000] =	vst v10;
	v1 =	vsel vm7, $0x7, v1  }
0x84: {  	s18 =	simm.s32 $0x2820;
	s19 =	simm.s32 $0x2C20;
	s17 =	simm.s32 $0x20;
	[tilespmem:s26+$0x2400] =	vst v1  }
.LBB2_2:
0x85: {  	s20 =	sadd.s32 $0x100, s20  }
0x86: {  	s21 =	sadd.s32 $0x20, s21;
	s22 =	sadd.s32 $0x20, s22;
	v1 =	vpop (erf);
	s23 =	smov.u32 s17  }
0x87: {  	s24 =	sand.u32 $0x60, s17;
	p0 =	sne.s32 s17, $0x3E0;
	s25 =	sand.u32 $0x1C00, s20;
	[tilespmem:s26+$0x2800] =	vst v1;
	v1 =	vsub.f32 $1.000000000e+00, v1  }
0x88: {  	s17 =	sadd.s32 $0x20, s17;
	s28 =	sor.u32 s24, s25;
	s24 =	sor.u32 $0x10, s24  }
0x89: {  	[tilespmem:s26+$0x2C00] =	vst v1  }
0x8a: {  	v1 =	vld [tilespmem:s28+$0x0]  }
0x8b: {  	v2 =	vld [tilespmem:s28+$0x80];
	_ =	sdelay $0x1  }
0x8c: {  	v3 =	vld [tilespmem:s28+$0x100];
	_ =	sdelay $0x1  }
0x8d: {  	v4 =	vld [tilespmem:s28+$0x180];
	vm0 =	vlt.f32 v1, $-Inf;
	vm1 =	vgt.f32 v1, $-Inf  }
0x8e: {  	vm2 =	vgt.f32 v2, v1;
	vm1 =	vmor vm1, vm0  }
0x8f: {  	v5 =	vld [tilespmem:s28+$0x200];
	v6 =	vsel vm2, v2, v1  }
0x90: {  	vm0 =	vgt.f32 v3, v6  }
0x91: {  	v7 =	vld [tilespmem:s28+$0x280];
	v6 =	vsel vm0, v3, v6  }
0x92: {  	vm3 =	vgt.f32 v4, v6  }
0x93: {  	v8 =	vld [tilespmem:s28+$0x300];
	v6 =	vsel vm3, v4, v6  }
0x94: {  	vm4 =	vgt.f32 v5, v6  }
0x95: {  	v9 =	vld [tilespmem:s28+$0x380];
	v6 =	vsel vm4, v5, v6  }
0x96: {  	v10 =	vsel vm2, $0x1, v0;
	vm2 =	vgt.f32 v7, v6  }
0x97: {  	v10 =	vsel vm0, $0x2, v10;
	v6 =	vsel vm2, v7, v6  }
0x98: {  	v10 =	vsel vm3, $0x3, v10;
	vm0 =	vgt.f32 v8, v6  }
0x99: {  	v10 =	vsel vm4, $0x4, v10;
	v6 =	vsel vm0, v8, v6  }
0x9a: {  	v10 =	vsel vm2, $0x5, v10;
	vm2 =	vgt.f32 v9, v6  }
0x9b: {  	v10 =	vsel vm0, $0x6, v10;
	vm0 =	vmneg vm2  }
0x9c: {  	v6 =	vsel vm0, v6, v9;
	v10 =	vnsel vm0, $0x7, v10  }
0x9d: {  	vm2 =	vne.s32 v10, $0x0  }
0x9e: {  	vm1 =	vmand vm1, vm2  }
0x9f: {  	v1 =	vnsel vm1, $0xFF800000, v1  }
0xa0: {  	vm1 =	vne.s32 v10, $0x1;
	vm2 =	vgt.f32 v2, v1  }
0xa1: {  	vm1 =	vmand vm1, vm2  }
0xa2: {  	v1 =	vsel vm1, v2, v1  }
0xa3: {  	vm2 =	vne.s32 v10, $0x2;
	vm3 =	vgt.f32 v3, v1  }
0xa4: {  	vm2 =	vmand vm2, vm3  }
0xa5: {  	v1 =	vsel vm2, v3, v1  }
0xa6: {  	vm3 =	vne.s32 v10, $0x3;
	vm4 =	vgt.f32 v4, v1  }
0xa7: {  	vm3 =	vmand vm3, vm4  }
0xa8: {  	v2 =	vsel vm1, $0x1, v0;
	v1 =	vsel vm3, v4, v1  }
0xa9: {  	vm1 =	vne.s32 v10, $0x4;
	v2 =	vsel vm2, $0x2, v2;
	vm2 =	vgt.f32 v5, v1  }
0xaa: {  	v2 =	vsel vm3, $0x3, v2;
	vm1 =	vmand vm1, vm2  }
0xab: {  	v1 =	vsel vm1, v5, v1;
	v2 =	vsel vm1, $0x4, v2  }
0xac: {  	vm1 =	vne.s32 v10, $0x5;
	vm2 =	vgt.f32 v7, v1  }
0xad: {  	vm1 =	vmand vm1, vm2  }
0xae: {  	v1 =	vsel vm1, v7, v1;
	v2 =	vsel vm1, $0x5, v2  }
0xaf: {  	vm1 =	vne.s32 v10, $0x6;
	vm2 =	vgt.f32 v8, v1  }
0xb0: {  	vm1 =	vmand vm1, vm2  }
0xb1: {  	v1 =	vsel vm1, v8, v1  }
0xb2: {  	vm2 =	vgt.f32 v9, v1  }
0xb3: {  	v2 =	vsel vm1, $0x6, v2;
	vm0 =	vmand vm0, vm2  }
0xb4: {  	v1 =	vsel vm0, v9, v1;
	v2 =	vsel vm0, $0x7, v2  }
0xb5: {  	v1 =	vsub.f32 v1, v6;
	_ =	sdelay $0x1  }
0xb6: {  	v1 =	vmul.f32 $1.442695020e+00, v1;
	_ =	sdelay $0x1  }
0xb7: {  	(erf) = vpow2.f32 v1;
	_ =	sdelay $0x8  }
0xb8: {  	v1 =	vpop (erf)  }
0xb9: {  	v1 =	vadd.f32 $1.000000000e+00, v1;
	_ =	sdelay $0x1  }
0xba: {  	(erf) = vrcp.f32 v1;
	_ =	sdelay $0x8  }
0xbb: {  	[tilespmem:s21+$0x0] =	vst v10;
	v1 =	vpop (erf)  }
0xbc: {  	[tilespmem:s22+$0x0] =	vst v2;
	v2 =	vsub.f32 $1.000000000e+00, v1  }
0xbd: {  	[tilespmem:s18+$0x0] =	vst v1  }
0xbe: {  	s25 =	sor.u32 s24, s25;
	[tilespmem:s19+$0x0] =	vst v2  }
0xbf: {  	v1 =	vld [tilespmem:s25+$0x0]  }
0xc0: {  	v2 =	vld [tilespmem:s25+$0x80];
	_ =	sdelay $0x1  }
0xc1: {  	v3 =	vld [tilespmem:s25+$0x100]  }
0xc2: {  	v4 =	vld [tilespmem:s25+$0x180]  }
0xc3: {  	vm0 =	vlt.f32 v1, $-Inf;
	vm1 =	vgt.f32 v1, $-Inf  }
0xc4: {  	v5 =	vld [tilespmem:s25+$0x200];
	vm2 =	vgt.f32 v2, v1;
	vm1 =	vmor vm1, vm0  }
0xc5: {  	v6 =	vsel vm2, v2, v1  }
0xc6: {  	v7 =	vld [tilespmem:s25+$0x280];
	vm0 =	vgt.f32 v3, v6  }
0xc7: {  	v6 =	vsel vm0, v3, v6  }
0xc8: {  	v8 =	vld [tilespmem:s25+$0x300];
	vm3 =	vgt.f32 v4, v6  }
0xc9: {  	v6 =	vsel vm3, v4, v6  }
0xca: {  	v9 =	vld [tilespmem:s25+$0x380];
	vm4 =	vgt.f32 v5, v6  }
0xcb: {  	v10 =	vsel vm2, $0x1, v0;
	v6 =	vsel vm4, v5, v6  }
0xcc: {  	v10 =	vsel vm0, $0x2, v10;
	vm0 =	vgt.f32 v7, v6  }
0xcd: {  	v10 =	vsel vm3, $0x3, v10;
	v6 =	vsel vm0, v7, v6  }
0xce: {  	v10 =	vsel vm4, $0x4, v10;
	vm2 =	vgt.f32 v8, v6  }
0xcf: {  	v10 =	vsel vm0, $0x5, v10;
	v6 =	vsel vm2, v8, v6  }
0xd0: {  	v10 =	vsel vm2, $0x6, v10;
	vm0 =	vgt.f32 v9, v6  }
0xd1: {  	s23 =	sand.u32 $0x380, s23;
	vm0 =	vmneg vm0  }
0xd2: {  	s26 =	sor.u32 s23, s24;
	v6 =	vsel vm0, v6, v9;
	v10 =	vnsel vm0, $0x7, v10  }
0xd3: {  	vm2 =	vne.s32 v10, $0x0;
	[tilespmem:s26+$0x2000] =	vst v10  }
0xd4: {  	vm1 =	vmand vm1, vm2  }
0xd5: {  	v1 =	vnsel vm1, $0xFF800000, v1;
	vm1 =	vne.s32 v10, $0x1  }
0xd6: {  	vm2 =	vgt.f32 v2, v1  }
0xd7: {  	vm1 =	vmand vm1, vm2  }
0xd8: {  	vm2 =	vne.s32 v10, $0x2;
	v1 =	vsel vm1, v2, v1  }
0xd9: {  	vm3 =	vgt.f32 v3, v1  }
0xda: {  	vm2 =	vmand vm2, vm3  }
0xdb: {  	vm3 =	vne.s32 v10, $0x3;
	v1 =	vsel vm2, v3, v1  }
0xdc: {  	vm4 =	vgt.f32 v4, v1  }
0xdd: {  	vm3 =	vmand vm3, vm4  }
0xde: {  	v2 =	vsel vm1, $0x1, v0;
	vm1 =	vne.s32 v10, $0x4;
	v1 =	vsel vm3, v4, v1  }
0xdf: {  	v2 =	vsel vm2, $0x2, v2;
	vm2 =	vgt.f32 v5, v1  }
0xe0: {  	v2 =	vsel vm3, $0x3, v2;
	vm1 =	vmand vm1, vm2  }
0xe1: {  	v1 =	vsel vm1, v5, v1;
	v2 =	vsel vm1, $0x4, v2;
	vm1 =	vne.s32 v10, $0x5  }
0xe2: {  	vm2 =	vgt.f32 v7, v1  }
0xe3: {  	vm1 =	vmand vm1, vm2  }
0xe4: {  	v1 =	vsel vm1, v7, v1;
	v2 =	vsel vm1, $0x5, v2;
	vm1 =	vne.s32 v10, $0x6  }
0xe5: {  	vm2 =	vgt.f32 v8, v1  }
0xe6: {  	vm1 =	vmand vm1, vm2  }
0xe7: {  	v1 =	vsel vm1, v8, v1  }
0xe8: {  	vm2 =	vgt.f32 v9, v1  }
0xe9: {  	v2 =	vsel vm1, $0x6, v2;
	vm0 =	vmand vm0, vm2  }
0xea: {  	v1 =	vsel vm0, v9, v1;
	v2 =	vsel vm0, $0x7, v2  }
0xeb: {  	v1 =	vsub.f32 v1, v6;
	[tilespmem:s26+$0x2400] =	vst v2;
	_ =	sdelay $0x1  }
0xec: {  	v1 =	vmul.f32 $1.442695020e+00, v1;
	_ =	sdelay $0x1  }
0xed: {  	(erf) = vpow2.f32 v1;
	_ =	sdelay $0x8  }
0xee: {  	v1 =	vpop (erf)  }
0xef: {  	v1 =	vadd.f32 $1.000000000e+00, v1;
	_ =	sdelay $0x1  }
0xf0: {  	(erf) = vrcp.f32 v1;
	_ =	sdelay $0x3  }
.Ltmp0:
0xf1: {  	(pc) =	sbr.rel @p0 .LBB2_2-.Ltmp0, $2  }
0xf2: {  	_ =	sdelay $0x2  }
0xf3: {  	s18 =	sadd.s32 $0x20, s18;
	s19 =	sadd.s32 $0x20, s19  }
0xf4: {  	v1 =	vpop (erf)  }
0xf5: {  	v2 =	vsub.f32 $1.000000000e+00, v1  }
0xf6: {  	[tilespmem:s26+$0x2800] =	vst v1  }
0xf7: {  	[tilespmem:s26+$0x2C00] =	vst v2  }
0xf8: {  	[hbm4b:s4+s10] =	stream.strided.scatter [tilespmem:s12], [sflag:$0x1], $0x400, s11, s10, $0x38;
	[tilespmem:$0x3000] =	vst v63  }
0xf9: {  	_ =	swait.ge [sflag:s9], $0x400  }
0xfa: {  	[sflag:s9] =	ssyncset.done $0x0  }
0xfb: {  	[sflag:s9] =	ssyncadd.s32 $0xFFFFFC00  }
0xfc: {  	[hbm4b:s5+s10] =	stream.strided.scatter [tilespmem:s13], [sflag:$0x1], $0x400, s11, s10, $0x38;
	[tilespmem:$0x3000] =	vst v63  }
0xfd: {  	_ =	swait.ge [sflag:s9], $0x400  }
0xfe: {  	[sflag:s9] =	ssyncset.done $0x0  }
0xff: {  	[sflag:s9] =	ssyncadd.s32 $0xFFFFFC00  }
0x100: {  	[hbm4b:s6+s10] =	stream.strided.scatter [tilespmem:s14], [sflag:$0x1], $0x400, s11, s10, $0x38;
	[tilespmem:$0x3000] =	vst v63  }
0x101: {  	s16 =	sadd.s32 $0x1, s16;
	_ =	swait.ge [sflag:s9], $0x400  }
0x102: {  	p0 =	sne.s32 s16, s8;
	[sflag:s9] =	ssyncset.done $0x0  }
.Ltmp1:
0x103: {  	[sflag:s9] =	ssyncadd.s32 $0xFFFFFC00;
	(pc) =	sbr.rel @p0 .LBB2_1-.Ltmp1, $4  }
0x104: {  	[hbm4b:s7+s10] =	stream.strided.scatter [tilespmem:s15], [sflag:$0x1], $0x400, s11, s10, $0x38;
	[tilespmem:$0x3000] =	vst v63  }
0x105: {  	_ =	swait.ge [sflag:s9], $0x400  }
0x106: {  	[sflag:s9] =	ssyncset.done $0x0  }
0x107: {  	[sflag:s9] =	ssyncadd.s32 $0xFFFFFC00  }
0x108: {  	_ =	sfence.sel $0x180000  }
0x109: {  	[bflag:$0x0] =	sbarrier.arrive $0xFFFF  }
0x10a: {  	p0 =	sne.s32 s1, $0x0;
	_ =	strace $0x90000047  }
0x10b: {  	s0 =	sadd.s32 @!p0 $0x100000, s0;
	[bflag:$0x2] =	sbarrier.arrive $0xFFFF  }
0x10c: {  	[sflag:s0] =	ssyncadd.tile.s32 @!p0 $0x1;
	_ =	shalt  }
.Lfunc_end2:
_tile_overlayer_lowered:
.L_overlay_start_2:
0x10d: {  	(tag) =	ssettag $0x2  }
0x10e: {  	s0 =	rddreg [dreg:$0x0];
	s2 =	stileid.u32  }
0x10f: {  	s1 =	rddreg [dreg:$0x1];
	p0 =	sne.s32 s2, $0x0  }
0x110: {  	s3 =	rddreg [dreg:$0x2];
	[bflag:$0x3] =	sbarrier.arrive $0xFFFF;
	s2 =	simm.s32 @!p0 $0x1C01  }
0x111: {  	[timem:s3], [sflag:s2] =	dma.local @!p0 [hbm:s0], s1  }
0x112: {  	s0 =	simm.s32 @!p0 $0x1  }
0x113: {  	_ =	swait.ge @!p0 [sflag:s0], s1  }
0x114: {  	s1 =	ssub.s32 @!p0 $0x0, s1;
	[sflag:s0] =	ssyncset.done @!p0 $0x0  }
0x115: {  	[sflag:s0] =	ssyncadd.s32 @!p0 s1  }
0x116: {  	[bflag:$0x3] =	sbarrier.arrive $0xFFFF  }
0x117: {  	_ =	shalt  }

</sc_bundles>
